<compile_context>
chip_gen: v7x
topology: tpu7x:2x2x1
jax: 0.10.2.dev20260603
libtpu: 0.0.44.dev20260713+nightly
codegen_flags: <defaults>
</compile_context>

<pallas_src>
import functools

import jax
import jax.numpy as jnp
from jax import lax
from jax.experimental import pallas as pl
from jax.experimental.pallas import tpu as pltpu
from jax.experimental.pallas import tpu_sc as plsc

B = 1024
D = 512
NUM_CLASS = 100000

NW = 32
BPW = B // NW
BR = 64
GRID = B // BR


def _sc_gather(label_ref, cls_ref, cloth_ref, gc_ref, gl_ref,
               idx_v, ga_v, sem_g, sem_w):
    wid = lax.axis_index("s") * 2 + lax.axis_index("c")
    base = wid * BPW

    pltpu.sync_copy(label_ref.at[pl.ds(base, BPW)], idx_v)

    pltpu.async_copy(cls_ref.at[idx_v], ga_v, sem_g).wait()
    pltpu.async_copy(ga_v, gc_ref.at[pl.ds(base, BPW)], sem_w)
    pltpu.make_async_copy(ga_v, gc_ref.at[pl.ds(base, BPW)], sem_w).wait()

    pltpu.async_copy(cloth_ref.at[idx_v], ga_v, sem_g).wait()
    pltpu.async_copy(ga_v, gl_ref.at[pl.ds(base, BPW)], sem_w)
    pltpu.make_async_copy(ga_v, gl_ref.at[pl.ds(base, BPW)], sem_w).wait()


def _tc_assemble(gc_ref, gl_ref, pre_ref, mid_ref, suf_ref, o_ref):
    for t in range(5):
        o_ref[t] = jnp.broadcast_to(pre_ref[t], (BR, D))
    for t in range(4):
        o_ref[5 + t] = gc_ref[:, t, :]
    for t in range(2):
        o_ref[9 + t] = jnp.broadcast_to(mid_ref[t], (BR, D))
    for t in range(4):
        o_ref[11 + t] = gl_ref[:, t, :]
    for t in range(62):
        o_ref[15 + t] = jnp.broadcast_to(suf_ref[t], (BR, D))


def kernel(label, cls_ctx, cloth_cls_ctx, token_prefix, token_mid, token_suffix):
    lbl = label.astype(jnp.int32)

    mesh = plsc.VectorSubcoreMesh(core_axis_name="c", subcore_axis_name="s")
    gc, gl = pl.kernel(
        _sc_gather,
        out_type=(jax.ShapeDtypeStruct((B, 4, D), jnp.float32),
                  jax.ShapeDtypeStruct((B, 4, D), jnp.float32)),
        mesh=mesh,
        scratch_types=[
            pltpu.VMEM((BPW,), jnp.int32),
            pltpu.VMEM((BPW, 4, D), jnp.float32),
            pltpu.SemaphoreType.DMA,
            pltpu.SemaphoreType.DMA,
        ],
    )(lbl, cls_ctx, cloth_cls_ctx)

    out = pl.pallas_call(
        _tc_assemble,
        out_shape=jax.ShapeDtypeStruct((77, B, D), jnp.float32),
        grid=(GRID,),
        in_specs=[
            pl.BlockSpec((BR, 4, D), lambda i: (i, 0, 0)),
            pl.BlockSpec((BR, 4, D), lambda i: (i, 0, 0)),
            pl.BlockSpec((5, D), lambda i: (0, 0)),
            pl.BlockSpec((2, D), lambda i: (0, 0)),
            pl.BlockSpec((62, D), lambda i: (0, 0)),
        ],
        out_specs=pl.BlockSpec((77, BR, D), lambda i: (0, i, 0)),
        compiler_params=pltpu.CompilerParams(
            dimension_semantics=("arbitrary",)),
    )(gc, gl, token_prefix.reshape(5, D), token_mid.reshape(2, D),
      token_suffix.reshape(62, D))
    return jnp.transpose(out, (1, 0, 2))

# --- scband reference (transcript-rebuilt; emitter-appended) ---
"""Pipeline reference for scband-prompt-learner-share-with-cloth-1202590843091 (READ-ONLY COPY).

The authoritative reference and input builder live on the scoring server;
editing this copy changes nothing except your own understanding.
"""

import jax, jax.numpy as jnp
import numpy as np

NUM_CLASS = 100000
CTX_DIM = 512
B = 1024
N_CLS_CTX = 4
CLOTH_CLS_CTX = 4
# default (mode=None) branch: prefix = embedding[:, :n_ctx+1] with n_ctx=4 -> 5 tokens,
# mid = 2 tokens, suffix = 77 - (5 + 4 + 2 + 4) = 62 tokens; total prompt length = 77

def setup_inputs(seed: int = 0) -> dict:
    key = jax.random.key(seed)
    ks = jax.random.split(key, 6)
    label = jax.random.randint(ks[0], (B,), 0, NUM_CLASS)
    cls_ctx = jax.random.normal(ks[1], (NUM_CLASS, N_CLS_CTX, CTX_DIM), dtype=jnp.float32) * 0.02
    cloth_cls_ctx = jax.random.normal(ks[2], (NUM_CLASS, CLOTH_CLS_CTX, CTX_DIM), dtype=jnp.float32) * 0.02
    token_prefix = jax.random.normal(ks[3], (1, 5, CTX_DIM), dtype=jnp.float32)
    token_mid = jax.random.normal(ks[4], (1, 2, CTX_DIM), dtype=jnp.float32)
    token_suffix = jax.random.normal(ks[5], (1, 62, CTX_DIM), dtype=jnp.float32)
    return {
        "label": label,
        "cls_ctx": cls_ctx,
        "cloth_cls_ctx": cloth_cls_ctx,
        "token_prefix": token_prefix,
        "token_mid": token_mid,
        "token_suffix": token_suffix,
    }


def reference(label, cls_ctx, cloth_cls_ctx, token_prefix, token_mid, token_suffix):
    b = label.shape[0]
    # embedding lookups (gather rows of the class-context tables)
    c = jnp.take(cls_ctx, label, axis=0)          # [B, 4, 512]
    cc = jnp.take(cloth_cls_ctx, label, axis=0)   # [B, 4, 512]
    prefix = jnp.broadcast_to(token_prefix, (b,) + token_prefix.shape[1:])   # [B, 5, 512]
    mid = jnp.broadcast_to(token_mid, (b,) + token_mid.shape[1:])            # [B, 2, 512]
    suffix = jnp.broadcast_to(token_suffix, (b,) + token_suffix.shape[1:])   # [B, 62, 512]
    prompts = jnp.concatenate([prefix, c, mid, cc, suffix], axis=1)          # [B, 77, 512]
    return prompts

if __name__ == "__main__":
    import jax
    _d = setup_inputs()
    print(jax.jit(kernel)(*tuple(_d.values())))

</pallas_src>

<mosaic_0001>
#map = affine_map<(d0, d1) -> (0)>
#map1 = affine_map<(d0, d1) -> (0, 0, 0)>
module attributes {stable_mosaic.version = 14 : i64} {
  func.func @_sc_gather(%arg0: i32, %arg1: i32, %arg2: memref<1024xi32, #tpu.memory_space<hbm>>, %arg3: memref<100000x4x512xf32, #tpu.memory_space<hbm>>, %arg4: memref<100000x4x512xf32, #tpu.memory_space<hbm>>, %arg5: memref<1024x4x512xf32, #tpu.memory_space<hbm>>, %arg6: memref<1024x4x512xf32, #tpu.memory_space<hbm>>, %arg7: memref<32xi32, #tpu.memory_space<vmem>>, %arg8: memref<32x4x512xf32, #tpu.memory_space<vmem>>, %arg9: memref<!tpu.dma_semaphore, #tpu.memory_space<semaphore_mem>>, %arg10: memref<!tpu.dma_semaphore, #tpu.memory_space<semaphore_mem>>) attributes {dimension_semantics = [#tpu.dimension_semantics<core_parallel>, #tpu.dimension_semantics<subcore_parallel>], iteration_bounds = array<i64: 2, 16>, scalar_prefetch = 0 : i64, scratch_operands = 4 : i64, tpu.core_type = #tpu.core_type<sc_vector_subcore>, window_params = [{transform_indices = #map}, {transform_indices = #map1}, {transform_indices = #map1}, {transform_indices = #map1}, {transform_indices = #map1}]} {
    %mul3A = arith.constant 2 : i32
    %mul3A_0 = arith.muli %arg1, %mul3A : i32
    %add3A = arith.addi %mul3A_0, %arg0 : i32
    %mul3A_1 = arith.constant 32 : i32
    %mul3A_2 = arith.muli %add3A, %mul3A_1 : i32
    "tpu.region"() ({
      %run_scoped3A = tpu.sem_alloc : memref<!tpu.dma_semaphore, #tpu.memory_space<semaphore_mem>>
      %dma_start3A_41 = tpu.memref_slice %arg2[%mul3A_2] : memref<1024xi32, #tpu.memory_space<hbm>> -> memref<32xi32, #tpu.memory_space<hbm>>
      %dma_start3A_42 = tpu.memref_slice %arg2[%mul3A_2] : memref<1024xi32, #tpu.memory_space<hbm>> -> memref<32xi32, #tpu.memory_space<hbm>>
      tpu.enqueue_dma source(%dma_start3A_42 : memref<32xi32, #tpu.memory_space<hbm>>) target(%arg7 : memref<32xi32, #tpu.memory_space<vmem>>) target_semaphore(%run_scoped3A : memref<!tpu.dma_semaphore, #tpu.memory_space<semaphore_mem>>)
      %dma_wait3A_43 = tpu.memref_slice %arg2[%mul3A_2] : memref<1024xi32, #tpu.memory_space<hbm>> -> memref<32xi32, #tpu.memory_space<hbm>>
      %dma_wait3A_44 = tpu.memref_slice %arg2[%mul3A_2] : memref<1024xi32, #tpu.memory_space<hbm>> -> memref<32xi32, #tpu.memory_space<hbm>>
      tpu.wait_dma2 semaphore(%run_scoped3A : memref<!tpu.dma_semaphore, #tpu.memory_space<semaphore_mem>>) src(%dma_wait3A_44 : memref<32xi32, #tpu.memory_space<hbm>>) dst(%arg7 : memref<32xi32, #tpu.memory_space<vmem>>)
      tpu.yield
    }) : () -> ()
    %dma_start3A = arith.constant 0 : i32
    %dma_start3A_3 = arith.constant 0 : i32
    %dma_start3A_4 = arith.constant 0 : i32
    %dma_start3A_5 = tpu.memref_slice %arg3[%dma_start3A, %dma_start3A_3, %dma_start3A_4] : memref<100000x4x512xf32, #tpu.memory_space<hbm>> -> memref<100000x4x512xf32, #tpu.memory_space<hbm>>
    tpu.enqueue_indirect_dma source(%dma_start3A_5 : memref<100000x4x512xf32, #tpu.memory_space<hbm>>) target(%arg8 : memref<32x4x512xf32, #tpu.memory_space<vmem>>) offsets(%arg7 : memref<32xi32, #tpu.memory_space<vmem>>) semaphore(%arg9 : memref<!tpu.dma_semaphore, #tpu.memory_space<semaphore_mem>>)
    %dma_wait3A = arith.constant 0 : i32
    %dma_wait3A_6 = arith.constant 0 : i32
    %dma_wait3A_7 = arith.constant 0 : i32
    %dma_wait3A_8 = tpu.memref_slice %arg3[%dma_wait3A, %dma_wait3A_6, %dma_wait3A_7] : memref<100000x4x512xf32, #tpu.memory_space<hbm>> -> memref<100000x4x512xf32, #tpu.memory_space<hbm>>
    tpu.wait_indirect_dma semaphore(%arg9 : memref<!tpu.dma_semaphore, #tpu.memory_space<semaphore_mem>>) src(%dma_wait3A_8 : memref<100000x4x512xf32, #tpu.memory_space<hbm>>) dst(%arg8 : memref<32x4x512xf32, #tpu.memory_space<vmem>>)
    %dma_start3A_9 = arith.constant 0 : i32
    %dma_start3A_10 = arith.constant 0 : i32
    %dma_start3A_11 = tpu.memref_slice %arg5[%mul3A_2, %dma_start3A_9, %dma_start3A_10] : memref<1024x4x512xf32, #tpu.memory_space<hbm>> -> memref<32x4x512xf32, #tpu.memory_space<hbm>>
    %dma_start3A_12 = arith.constant 0 : i32
    %dma_start3A_13 = arith.constant 0 : i32
    %dma_start3A_14 = tpu.memref_slice %arg5[%mul3A_2, %dma_start3A_12, %dma_start3A_13] : memref<1024x4x512xf32, #tpu.memory_space<hbm>> -> memref<32x4x512xf32, #tpu.memory_space<hbm>>
    tpu.enqueue_dma source(%arg8 : memref<32x4x512xf32, #tpu.memory_space<vmem>>) target(%dma_start3A_14 : memref<32x4x512xf32, #tpu.memory_space<hbm>>) target_semaphore(%arg10 : memref<!tpu.dma_semaphore, #tpu.memory_space<semaphore_mem>>)
    %dma_wait3A_15 = arith.constant 0 : i32
    %dma_wait3A_16 = arith.constant 0 : i32
    %dma_wait3A_17 = tpu.memref_slice %arg5[%mul3A_2, %dma_wait3A_15, %dma_wait3A_16] : memref<1024x4x512xf32, #tpu.memory_space<hbm>> -> memref<32x4x512xf32, #tpu.memory_space<hbm>>
    %dma_wait3A_18 = arith.constant 0 : i32
    %dma_wait3A_19 = arith.constant 0 : i32
    %dma_wait3A_20 = tpu.memref_slice %arg5[%mul3A_2, %dma_wait3A_18, %dma_wait3A_19] : memref<1024x4x512xf32, #tpu.memory_space<hbm>> -> memref<32x4x512xf32, #tpu.memory_space<hbm>>
    tpu.wait_dma2 semaphore(%arg10 : memref<!tpu.dma_semaphore, #tpu.memory_space<semaphore_mem>>) src(%arg8 : memref<32x4x512xf32, #tpu.memory_space<vmem>>) dst(%dma_wait3A_20 : memref<32x4x512xf32, #tpu.memory_space<hbm>>)
    %dma_start3A_21 = arith.constant 0 : i32
    %dma_start3A_22 = arith.constant 0 : i32
    %dma_start3A_23 = arith.constant 0 : i32
    %dma_start3A_24 = tpu.memref_slice %arg4[%dma_start3A_21, %dma_start3A_22, %dma_start3A_23] : memref<100000x4x512xf32, #tpu.memory_space<hbm>> -> memref<100000x4x512xf32, #tpu.memory_space<hbm>>
    tpu.enqueue_indirect_dma source(%dma_start3A_24 : memref<100000x4x512xf32, #tpu.memory_space<hbm>>) target(%arg8 : memref<32x4x512xf32, #tpu.memory_space<vmem>>) offsets(%arg7 : memref<32xi32, #tpu.memory_space<vmem>>) semaphore(%arg9 : memref<!tpu.dma_semaphore, #tpu.memory_space<semaphore_mem>>)
    %dma_wait3A_25 = arith.constant 0 : i32
    %dma_wait3A_26 = arith.constant 0 : i32
    %dma_wait3A_27 = arith.constant 0 : i32
    %dma_wait3A_28 = tpu.memref_slice %arg4[%dma_wait3A_25, %dma_wait3A_26, %dma_wait3A_27] : memref<100000x4x512xf32, #tpu.memory_space<hbm>> -> memref<100000x4x512xf32, #tpu.memory_space<hbm>>
    tpu.wait_indirect_dma semaphore(%arg9 : memref<!tpu.dma_semaphore, #tpu.memory_space<semaphore_mem>>) src(%dma_wait3A_28 : memref<100000x4x512xf32, #tpu.memory_space<hbm>>) dst(%arg8 : memref<32x4x512xf32, #tpu.memory_space<vmem>>)
    %dma_start3A_29 = arith.constant 0 : i32
    %dma_start3A_30 = arith.constant 0 : i32
    %dma_start3A_31 = tpu.memref_slice %arg6[%mul3A_2, %dma_start3A_29, %dma_start3A_30] : memref<1024x4x512xf32, #tpu.memory_space<hbm>> -> memref<32x4x512xf32, #tpu.memory_space<hbm>>
    %dma_start3A_32 = arith.constant 0 : i32
    %dma_start3A_33 = arith.constant 0 : i32
    %dma_start3A_34 = tpu.memref_slice %arg6[%mul3A_2, %dma_start3A_32, %dma_start3A_33] : memref<1024x4x512xf32, #tpu.memory_space<hbm>> -> memref<32x4x512xf32, #tpu.memory_space<hbm>>
    tpu.enqueue_dma source(%arg8 : memref<32x4x512xf32, #tpu.memory_space<vmem>>) target(%dma_start3A_34 : memref<32x4x512xf32, #tpu.memory_space<hbm>>) target_semaphore(%arg10 : memref<!tpu.dma_semaphore, #tpu.memory_space<semaphore_mem>>)
    %dma_wait3A_35 = arith.constant 0 : i32
    %dma_wait3A_36 = arith.constant 0 : i32
    %dma_wait3A_37 = tpu.memref_slice %arg6[%mul3A_2, %dma_wait3A_35, %dma_wait3A_36] : memref<1024x4x512xf32, #tpu.memory_space<hbm>> -> memref<32x4x512xf32, #tpu.memory_space<hbm>>
    %dma_wait3A_38 = arith.constant 0 : i32
    %dma_wait3A_39 = arith.constant 0 : i32
    %dma_wait3A_40 = tpu.memref_slice %arg6[%mul3A_2, %dma_wait3A_38, %dma_wait3A_39] : memref<1024x4x512xf32, #tpu.memory_space<hbm>> -> memref<32x4x512xf32, #tpu.memory_space<hbm>>
    tpu.wait_dma2 semaphore(%arg10 : memref<!tpu.dma_semaphore, #tpu.memory_space<semaphore_mem>>) src(%arg8 : memref<32x4x512xf32, #tpu.memory_space<vmem>>) dst(%dma_wait3A_40 : memref<32x4x512xf32, #tpu.memory_space<hbm>>)
    return
  }
}

module attributes {stable_mosaic.version = 14 : i64} {
  func.func @_tc_assemble(%arg0: i32, %arg1: memref<64x4x512xf32, #tpu.memory_space<vmem>>, %arg2: memref<64x4x512xf32, #tpu.memory_space<vmem>>, %arg3: memref<5x512xf32, #tpu.memory_space<vmem>>, %arg4: memref<2x512xf32, #tpu.memory_space<vmem>>, %arg5: memref<62x512xf32, #tpu.memory_space<vmem>>, %arg6: memref<77x64x512xf32, #tpu.memory_space<vmem>>) attributes {dimension_semantics = [#tpu.dimension_semantics<arbitrary>], iteration_bounds = array<i64: 16>, scalar_prefetch = 0 : i64, scratch_operands = 0 : i64, tpu.core_type = #tpu.core_type<tc>, window_params = [{transform_indices = @transform_0, window_bounds = array<i64: 64, 4, 512>}, {transform_indices = @transform_1, window_bounds = array<i64: 64, 4, 512>}, {pipeline_mode = #tpu.pipeline_mode<synchronous>, transform_indices = @transform_2, window_bounds = array<i64: 5, 512>}, {pipeline_mode = #tpu.pipeline_mode<synchronous>, transform_indices = @transform_3, window_bounds = array<i64: 2, 512>}, {pipeline_mode = #tpu.pipeline_mode<synchronous>, transform_indices = @transform_4, window_bounds = array<i64: 62, 512>}, {transform_indices = @transform_5, window_bounds = array<i64: 77, 64, 512>}]} {
    %get3A = arith.constant 0 : index
    %get3A_0 = arith.constant 0 : index
    %get3A_1 = vector.load %arg3[%get3A, %get3A_0] : memref<5x512xf32, #tpu.memory_space<vmem>>, vector<1x512xf32>
    %get3A_2 = vector.shape_cast %get3A_1 : vector<1x512xf32> to vector<512xf32>
    %broadcast_in_dim3A = vector.shape_cast %get3A_2 : vector<512xf32> to vector<1x512xf32>
    %broadcast_in_dim3A_3 = vector.broadcast %broadcast_in_dim3A : vector<1x512xf32> to vector<64x512xf32>
    %swap3A = arith.constant 0 : index
    %swap3A_4 = arith.constant 0 : index
    %swap3A_5 = arith.constant 0 : index
    %swap3A_6 = vector.load %arg6[%swap3A, %swap3A_4, %swap3A_5] : memref<77x64x512xf32, #tpu.memory_space<vmem>>, vector<1x64x512xf32>
    %swap3A_7 = vector.shape_cast %swap3A_6 : vector<1x64x512xf32> to vector<64x512xf32>
    %swap3A_8 = vector.shape_cast %broadcast_in_dim3A_3 : vector<64x512xf32> to vector<1x64x512xf32>
    tpu.vector_store %arg6[%swap3A, %swap3A_4, %swap3A_5], %swap3A_8 {strides = array<i32>} : memref<77x64x512xf32, #tpu.memory_space<vmem>>, vector<1x64x512xf32>,
    %get3A_9 = arith.constant 1 : index
    %get3A_10 = arith.constant 0 : index
    %get3A_11 = vector.load %arg3[%get3A_9, %get3A_10] : memref<5x512xf32, #tpu.memory_space<vmem>>, vector<1x512xf32>
    %get3A_12 = vector.shape_cast %get3A_11 : vector<1x512xf32> to vector<512xf32>
    %broadcast_in_dim3A_13 = vector.shape_cast %get3A_12 : vector<512xf32> to vector<1x512xf32>
    %broadcast_in_dim3A_14 = vector.broadcast %broadcast_in_dim3A_13 : vector<1x512xf32> to vector<64x512xf32>
    %swap3A_15 = arith.constant 1 : index
    %swap3A_16 = arith.constant 0 : index
    %swap3A_17 = arith.constant 0 : index
    %swap3A_18 = vector.load %arg6[%swap3A_15, %swap3A_16, %swap3A_17] : memref<77x64x512xf32, #tpu.memory_space<vmem>>, vector<1x64x512xf32>
    %swap3A_19 = vector.shape_cast %swap3A_18 : vector<1x64x512xf32> to vector<64x512xf32>
    %swap3A_20 = vector.shape_cast %broadcast_in_dim3A_14 : vector<64x512xf32> to vector<1x64x512xf32>
    tpu.vector_store %arg6[%swap3A_15, %swap3A_16, %swap3A_17], %swap3A_20 {strides = array<i32>} : memref<77x64x512xf32, #tpu.memory_space<vmem>>, vector<1x64x512xf32>,
    %get3A_21 = arith.constant 2 : index
    %get3A_22 = arith.constant 0 : index
    %get3A_23 = vector.load %arg3[%get3A_21, %get3A_22] : memref<5x512xf32, #tpu.memory_space<vmem>>, vector<1x512xf32>
    %get3A_24 = vector.shape_cast %get3A_23 : vector<1x512xf32> to vector<512xf32>
    %broadcast_in_dim3A_25 = vector.shape_cast %get3A_24 : vector<512xf32> to vector<1x512xf32>
    %broadcast_in_dim3A_26 = vector.broadcast %broadcast_in_dim3A_25 : vector<1x512xf32> to vector<64x512xf32>
    %swap3A_27 = arith.constant 2 : index
    %swap3A_28 = arith.constant 0 : index
    %swap3A_29 = arith.constant 0 : index
    %swap3A_30 = vector.load %arg6[%swap3A_27, %swap3A_28, %swap3A_29] : memref<77x64x512xf32, #tpu.memory_space<vmem>>, vector<1x64x512xf32>
    %swap3A_31 = vector.shape_cast %swap3A_30 : vector<1x64x512xf32> to vector<64x512xf32>
    %swap3A_32 = vector.shape_cast %broadcast_in_dim3A_26 : vector<64x512xf32> to vector<1x64x512xf32>
    tpu.vector_store %arg6[%swap3A_27, %swap3A_28, %swap3A_29], %swap3A_32 {strides = array<i32>} : memref<77x64x512xf32, #tpu.memory_space<vmem>>, vector<1x64x512xf32>,
    %get3A_33 = arith.constant 3 : index
    %get3A_34 = arith.constant 0 : index
    %get3A_35 = vector.load %arg3[%get3A_33, %get3A_34] : memref<5x512xf32, #tpu.memory_space<vmem>>, vector<1x512xf32>
    %get3A_36 = vector.shape_cast %get3A_35 : vector<1x512xf32> to vector<512xf32>
    %broadcast_in_dim3A_37 = vector.shape_cast %get3A_36 : vector<512xf32> to vector<1x512xf32>
    %broadcast_in_dim3A_38 = vector.broadcast %broadcast_in_dim3A_37 : vector<1x512xf32> to vector<64x512xf32>
    %swap3A_39 = arith.constant 3 : index
    %swap3A_40 = arith.constant 0 : index
    %swap3A_41 = arith.constant 0 : index
    %swap3A_42 = vector.load %arg6[%swap3A_39, %swap3A_40, %swap3A_41] : memref<77x64x512xf32, #tpu.memory_space<vmem>>, vector<1x64x512xf32>
    %swap3A_43 = vector.shape_cast %swap3A_42 : vector<1x64x512xf32> to vector<64x512xf32>
    %swap3A_44 = vector.shape_cast %broadcast_in_dim3A_38 : vector<64x512xf32> to vector<1x64x512xf32>
    tpu.vector_store %arg6[%swap3A_39, %swap3A_40, %swap3A_41], %swap3A_44 {strides = array<i32>} : memref<77x64x512xf32, #tpu.memory_space<vmem>>, vector<1x64x512xf32>,
    %get3A_45 = arith.constant 4 : index
    %get3A_46 = arith.constant 0 : index
    %get3A_47 = vector.load %arg3[%get3A_45, %get3A_46] : memref<5x512xf32, #tpu.memory_space<vmem>>, vector<1x512xf32>
    %get3A_48 = vector.shape_cast %get3A_47 : vector<1x512xf32> to vector<512xf32>
    %broadcast_in_dim3A_49 = vector.shape_cast %get3A_48 : vector<512xf32> to vector<1x512xf32>
    %broadcast_in_dim3A_50 = vector.broadcast %broadcast_in_dim3A_49 : vector<1x512xf32> to vector<64x512xf32>
    %swap3A_51 = arith.constant 4 : index
    %swap3A_52 = arith.constant 0 : index
    %swap3A_53 = arith.constant 0 : index
    %swap3A_54 = vector.load %arg6[%swap3A_51, %swap3A_52, %swap3A_53] : memref<77x64x512xf32, #tpu.memory_space<vmem>>, vector<1x64x512xf32>
    %swap3A_55 = vector.shape_cast %swap3A_54 : vector<1x64x512xf32> to vector<64x512xf32>
    %swap3A_56 = vector.shape_cast %broadcast_in_dim3A_50 : vector<64x512xf32> to vector<1x64x512xf32>
    tpu.vector_store %arg6[%swap3A_51, %swap3A_52, %swap3A_53], %swap3A_56 {strides = array<i32>} : memref<77x64x512xf32, #tpu.memory_space<vmem>>, vector<1x64x512xf32>,
    %get3A_57 = arith.constant 0 : index
    %get3A_58 = arith.constant 0 : index
    %get3A_59 = arith.constant 0 : index
    %get3A_60 = vector.load %arg1[%get3A_57, %get3A_58, %get3A_59] : memref<64x4x512xf32, #tpu.memory_space<vmem>>, vector<64x1x512xf32>
    %get3A_61 = vector.shape_cast %get3A_60 : vector<64x1x512xf32> to vector<64x512xf32>
    %swap3A_62 = arith.constant 5 : index
    %swap3A_63 = arith.constant 0 : index
    %swap3A_64 = arith.constant 0 : index
    %swap3A_65 = vector.load %arg6[%swap3A_62, %swap3A_63, %swap3A_64] : memref<77x64x512xf32, #tpu.memory_space<vmem>>, vector<1x64x512xf32>
    %swap3A_66 = vector.shape_cast %swap3A_65 : vector<1x64x512xf32> to vector<64x512xf32>
    %swap3A_67 = vector.shape_cast %get3A_61 : vector<64x512xf32> to vector<1x64x512xf32>
    tpu.vector_store %arg6[%swap3A_62, %swap3A_63, %swap3A_64], %swap3A_67 {strides = array<i32>} : memref<77x64x512xf32, #tpu.memory_space<vmem>>, vector<1x64x512xf32>,
    %get3A_68 = arith.constant 0 : index
    %get3A_69 = arith.constant 1 : index
    %get3A_70 = arith.constant 0 : index
    %get3A_71 = vector.load %arg1[%get3A_68, %get3A_69, %get3A_70] : memref<64x4x512xf32, #tpu.memory_space<vmem>>, vector<64x1x512xf32>
    %get3A_72 = vector.shape_cast %get3A_71 : vector<64x1x512xf32> to vector<64x512xf32>
    %swap3A_73 = arith.constant 6 : index
    %swap3A_74 = arith.constant 0 : index
    %swap3A_75 = arith.constant 0 : index
    %swap3A_76 = vector.load %arg6[%swap3A_73, %swap3A_74, %swap3A_75] : memref<77x64x512xf32, #tpu.memory_space<vmem>>, vector<1x64x512xf32>
    %swap3A_77 = vector.shape_cast %swap3A_76 : vector<1x64x512xf32> to vector<64x512xf32>
    %swap3A_78 = vector.shape_cast %get3A_72 : vector<64x512xf32> to vector<1x64x512xf32>
    tpu.vector_store %arg6[%swap3A_73, %swap3A_74, %swap3A_75], %swap3A_78 {strides = array<i32>} : memref<77x64x512xf32, #tpu.memory_space<vmem>>, vector<1x64x512xf32>,
    %get3A_79 = arith.constant 0 : index
    %get3A_80 = arith.constant 2 : index
    %get3A_81 = arith.constant 0 : index
    %get3A_82 = vector.load %arg1[%get3A_79, %get3A_80, %get3A_81] : memref<64x4x512xf32, #tpu.memory_space<vmem>>, vector<64x1x512xf32>
    %get3A_83 = vector.shape_cast %get3A_82 : vector<64x1x512xf32> to vector<64x512xf32>
    %swap3A_84 = arith.constant 7 : index
    %swap3A_85 = arith.constant 0 : index
    %swap3A_86 = arith.constant 0 : index
    %swap3A_87 = vector.load %arg6[%swap3A_84, %swap3A_85, %swap3A_86] : memref<77x64x512xf32, #tpu.memory_space<vmem>>, vector<1x64x512xf32>
    %swap3A_88 = vector.shape_cast %swap3A_87 : vector<1x64x512xf32> to vector<64x512xf32>
    %swap3A_89 = vector.shape_cast %get3A_83 : vector<64x512xf32> to vector<1x64x512xf32>
    tpu.vector_store %arg6[%swap3A_84, %swap3A_85, %swap3A_86], %swap3A_89 {strides = array<i32>} : memref<77x64x512xf32, #tpu.memory_space<vmem>>, vector<1x64x512xf32>,
    %get3A_90 = arith.constant 0 : index
    %get3A_91 = arith.constant 3 : index
    %get3A_92 = arith.constant 0 : index
    %get3A_93 = vector.load %arg1[%get3A_90, %get3A_91, %get3A_92] : memref<64x4x512xf32, #tpu.memory_space<vmem>>, vector<64x1x512xf32>
    %get3A_94 = vector.shape_cast %get3A_93 : vector<64x1x512xf32> to vector<64x512xf32>
    %swap3A_95 = arith.constant 8 : index
    %swap3A_96 = arith.constant 0 : index
    %swap3A_97 = arith.constant 0 : index
    %swap3A_98 = vector.load %arg6[%swap3A_95, %swap3A_96, %swap3A_97] : memref<77x64x512xf32, #tpu.memory_space<vmem>>, vector<1x64x512xf32>
    %swap3A_99 = vector.shape_cast %swap3A_98 : vector<1x64x512xf32> to vector<64x512xf32>
    %swap3A_100 = vector.shape_cast %get3A_94 : vector<64x512xf32> to vector<1x64x512xf32>
    tpu.vector_store %arg6[%swap3A_95, %swap3A_96, %swap3A_97], %swap3A_100 {strides = array<i32>} : memref<77x64x512xf32, #tpu.memory_space<vmem>>, vector<1x64x512xf32>,
    %get3A_101 = arith.constant 0 : index
    %get3A_102 = arith.constant 0 : index
    %get3A_103 = vector.load %arg4[%get3A_101, %get3A_102] : memref<2x512xf32, #tpu.memory_space<vmem>>, vector<1x512xf32>
    %get3A_104 = vector.shape_cast %get3A_103 : vector<1x512xf32> to vector<512xf32>
    %broadcast_in_dim3A_105 = vector.shape_cast %get3A_104 : vector<512xf32> to vector<1x512xf32>
    %broadcast_in_dim3A_106 = vector.broadcast %broadcast_in_dim3A_105 : vector<1x512xf32> to vector<64x512xf32>
    %swap3A_107 = arith.constant 9 : index
    %swap3A_108 = arith.constant 0 : index
    %swap3A_109 = arith.constant 0 : index
    %swap3A_110 = vector.load %arg6[%swap3A_107, %swap3A_108, %swap3A_109] : memref<77x64x512xf32, #tpu.memory_space<vmem>>, vector<1x64x512xf32>
    %swap3A_111 = vector.shape_cast %swap3A_110 : vector<1x64x512xf32> to vector<64x512xf32>
    %swap3A_112 = vector.shape_cast %broadcast_in_dim3A_106 : vector<64x512xf32> to vector<1x64x512xf32>
    tpu.vector_store %arg6[%swap3A_107, %swap3A_108, %swap3A_109], %swap3A_112 {strides = array<i32>} : memref<77x64x512xf32, #tpu.memory_space<vmem>>, vector<1x64x512xf32>,
    %get3A_113 = arith.constant 1 : index
    %get3A_114 = arith.constant 0 : index
    %get3A_115 = vector.load %arg4[%get3A_113, %get3A_114] : memref<2x512xf32, #tpu.memory_space<vmem>>, vector<1x512xf32>
    %get3A_116 = vector.shape_cast %get3A_115 : vector<1x512xf32> to vector<512xf32>
    %broadcast_in_dim3A_117 = vector.shape_cast %get3A_116 : vector<512xf32> to vector<1x512xf32>
    %broadcast_in_dim3A_118 = vector.broadcast %broadcast_in_dim3A_117 : vector<1x512xf32> to vector<64x512xf32>
    %swap3A_119 = arith.constant 10 : index
    %swap3A_120 = arith.constant 0 : index
    %swap3A_121 = arith.constant 0 : index
    %swap3A_122 = vector.load %arg6[%swap3A_119, %swap3A_120, %swap3A_121] : memref<77x64x512xf32, #tpu.memory_space<vmem>>, vector<1x64x512xf32>
    %swap3A_123 = vector.shape_cast %swap3A_122 : vector<1x64x512xf32> to vector<64x512xf32>
    %swap3A_124 = vector.shape_cast %broadcast_in_dim3A_118 : vector<64x512xf32> to vector<1x64x512xf32>
    tpu.vector_store %arg6[%swap3A_119, %swap3A_120, %swap3A_121], %swap3A_124 {strides = array<i32>} : memref<77x64x512xf32, #tpu.memory_space<vmem>>, vector<1x64x512xf32>,
    %get3A_125 = arith.constant 0 : index
    %get3A_126 = arith.constant 0 : index
    %get3A_127 = arith.constant 0 : index
    %get3A_128 = vector.load %arg2[%get3A_125, %get3A_126, %get3A_127] : memref<64x4x512xf32, #tpu.memory_space<vmem>>, vector<64x1x512xf32>
    %get3A_129 = vector.shape_cast %get3A_128 : vector<64x1x512xf32> to vector<64x512xf32>
    %swap3A_130 = arith.constant 11 : index
    %swap3A_131 = arith.constant 0 : index
    %swap3A_132 = arith.constant 0 : index
    %swap3A_133 = vector.load %arg6[%swap3A_130, %swap3A_131, %swap3A_132] : memref<77x64x512xf32, #tpu.memory_space<vmem>>, vector<1x64x512xf32>
    %swap3A_134 = vector.shape_cast %swap3A_133 : vector<1x64x512xf32> to vector<64x512xf32>
    %swap3A_135 = vector.shape_cast %get3A_129 : vector<64x512xf32> to vector<1x64x512xf32>
    tpu.vector_store %arg6[%swap3A_130, %swap3A_131, %swap3A_132], %swap3A_135 {strides = array<i32>} : memref<77x64x512xf32, #tpu.memory_space<vmem>>, vector<1x64x512xf32>,
    %get3A_136 = arith.constant 0 : index
    %get3A_137 = arith.constant 1 : index
    %get3A_138 = arith.constant 0 : index
    %get3A_139 = vector.load %arg2[%get3A_136, %get3A_137, %get3A_138] : memref<64x4x512xf32, #tpu.memory_space<vmem>>, vector<64x1x512xf32>
    %get3A_140 = vector.shape_cast %get3A_139 : vector<64x1x512xf32> to vector<64x512xf32>
    %swap3A_141 = arith.constant 12 : index
    %swap3A_142 = arith.constant 0 : index
    %swap3A_143 = arith.constant 0 : index
    %swap3A_144 = vector.load %arg6[%swap3A_141, %swap3A_142, %swap3A_143] : memref<77x64x512xf32, #tpu.memory_space<vmem>>, vector<1x64x512xf32>
    %swap3A_145 = vector.shape_cast %swap3A_144 : vector<1x64x512xf32> to vector<64x512xf32>
    %swap3A_146 = vector.shape_cast %get3A_140 : vector<64x512xf32> to vector<1x64x512xf32>
    tpu.vector_store %arg6[%swap3A_141, %swap3A_142, %swap3A_143], %swap3A_146 {strides = array<i32>} : memref<77x64x512xf32, #tpu.memory_space<vmem>>, vector<1x64x512xf32>,
    %get3A_147 = arith.constant 0 : index
    %get3A_148 = arith.constant 2 : index
    %get3A_149 = arith.constant 0 : index
    %get3A_150 = vector.load %arg2[%get3A_147, %get3A_148, %get3A_149] : memref<64x4x512xf32, #tpu.memory_space<vmem>>, vector<64x1x512xf32>
    %get3A_151 = vector.shape_cast %get3A_150 : vector<64x1x512xf32> to vector<64x512xf32>
    %swap3A_152 = arith.constant 13 : index
    %swap3A_153 = arith.constant 0 : index
    %swap3A_154 = arith.constant 0 : index
    %swap3A_155 = vector.load %arg6[%swap3A_152, %swap3A_153, %swap3A_154] : memref<77x64x512xf32, #tpu.memory_space<vmem>>, vector<1x64x512xf32>
    %swap3A_156 = vector.shape_cast %swap3A_155 : vector<1x64x512xf32> to vector<64x512xf32>
    %swap3A_157 = vector.shape_cast %get3A_151 : vector<64x512xf32> to vector<1x64x512xf32>
    tpu.vector_store %arg6[%swap3A_152, %swap3A_153, %swap3A_154], %swap3A_157 {strides = array<i32>} : memref<77x64x512xf32, #tpu.memory_space<vmem>>, vector<1x64x512xf32>,
    %get3A_158 = arith.constant 0 : index
    %get3A_159 = arith.constant 3 : index
    %get3A_160 = arith.constant 0 : index
    %get3A_161 = vector.load %arg2[%get3A_158, %get3A_159, %get3A_160] : memref<64x4x512xf32, #tpu.memory_space<vmem>>, vector<64x1x512xf32>
    %get3A_162 = vector.shape_cast %get3A_161 : vector<64x1x512xf32> to vector<64x512xf32>
    %swap3A_163 = arith.constant 14 : index
    %swap3A_164 = arith.constant 0 : index
    %swap3A_165 = arith.constant 0 : index
    %swap3A_166 = vector.load %arg6[%swap3A_163, %swap3A_164, %swap3A_165] : memref<77x64x512xf32, #tpu.memory_space<vmem>>, vector<1x64x512xf32>
    %swap3A_167 = vector.shape_cast %swap3A_166 : vector<1x64x512xf32> to vector<64x512xf32>
    %swap3A_168 = vector.shape_cast %get3A_162 : vector<64x512xf32> to vector<1x64x512xf32>
    tpu.vector_store %arg6[%swap3A_163, %swap3A_164, %swap3A_165], %swap3A_168 {strides = array<i32>} : memref<77x64x512xf32, #tpu.memory_space<vmem>>, vector<1x64x512xf32>,
    %get3A_169 = arith.constant 0 : index
    %get3A_170 = arith.constant 0 : index
    %get3A_171 = vector.load %arg5[%get3A_169, %get3A_170] : memref<62x512xf32, #tpu.memory_space<vmem>>, vector<1x512xf32>
    %get3A_172 = vector.shape_cast %get3A_171 : vector<1x512xf32> to vector<512xf32>
    %broadcast_in_dim3A_173 = vector.shape_cast %get3A_172 : vector<512xf32> to vector<1x512xf32>
    %broadcast_in_dim3A_174 = vector.broadcast %broadcast_in_dim3A_173 : vector<1x512xf32> to vector<64x512xf32>
    %swap3A_175 = arith.constant 15 : index
    %swap3A_176 = arith.constant 0 : index
    %swap3A_177 = arith.constant 0 : index
    %swap3A_178 = vector.load %arg6[%swap3A_175, %swap3A_176, %swap3A_177] : memref<77x64x512xf32, #tpu.memory_space<vmem>>, vector<1x64x512xf32>
    %swap3A_179 = vector.shape_cast %swap3A_178 : vector<1x64x512xf32> to vector<64x512xf32>
    %swap3A_180 = vector.shape_cast %broadcast_in_dim3A_174 : vector<64x512xf32> to vector<1x64x512xf32>
    tpu.vector_store %arg6[%swap3A_175, %swap3A_176, %swap3A_177], %swap3A_180 {strides = array<i32>} : memref<77x64x512xf32, #tpu.memory_space<vmem>>, vector<1x64x512xf32>,
    %get3A_181 = arith.constant 1 : index
    %get3A_182 = arith.constant 0 : index
    %get3A_183 = vector.load %arg5[%get3A_181, %get3A_182] : memref<62x512xf32, #tpu.memory_space<vmem>>, vector<1x512xf32>
    %get3A_184 = vector.shape_cast %get3A_183 : vector<1x512xf32> to vector<512xf32>
    %broadcast_in_dim3A_185 = vector.shape_cast %get3A_184 : vector<512xf32> to vector<1x512xf32>
    %broadcast_in_dim3A_186 = vector.broadcast %broadcast_in_dim3A_185 : vector<1x512xf32> to vector<64x512xf32>
    %swap3A_187 = arith.constant 16 : index
    %swap3A_188 = arith.constant 0 : index
    %swap3A_189 = arith.constant 0 : index
    %swap3A_190 = vector.load %arg6[%swap3A_187, %swap3A_188, %swap3A_189] : memref<77x64x512xf32, #tpu.memory_space<vmem>>, vector<1x64x512xf32>
    %swap3A_191 = vector.shape_cast %swap3A_190 : vector<1x64x512xf32> to vector<64x512xf32>
    %swap3A_192 = vector.shape_cast %broadcast_in_dim3A_186 : vector<64x512xf32> to vector<1x64x512xf32>
    tpu.vector_store %arg6[%swap3A_187, %swap3A_188, %swap3A_189], %swap3A_192 {strides = array<i32>} : memref<77x64x512xf32, #tpu.memory_space<vmem>>, vector<1x64x512xf32>,
    %get3A_193 = arith.constant 2 : index
    %get3A_194 = arith.constant 0 : index
    %get3A_195 = vector.load %arg5[%get3A_193, %get3A_194] : memref<62x512xf32, #tpu.memory_space<vmem>>, vector<1x512xf32>
    %get3A_196 = vector.shape_cast %get3A_195 : vector<1x512xf32> to vector<512xf32>
    %broadcast_in_dim3A_197 = vector.shape_cast %get3A_196 : vector<512xf32> to vector<1x512xf32>
    %broadcast_in_dim3A_198 = vector.broadcast %broadcast_in_dim3A_197 : vector<1x512xf32> to vector<64x512xf32>
    %swap3A_199 = arith.constant 17 : index
    %swap3A_200 = arith.constant 0 : index
    %swap3A_201 = arith.constant 0 : index
    %swap3A_202 = vector.load %arg6[%swap3A_199, %swap3A_200, %swap3A_201] : memref<77x64x512xf32, #tpu.memory_space<vmem>>, vector<1x64x512xf32>
    %swap3A_203 = vector.shape_cast %swap3A_202 : vector<1x64x512xf32> to vector<64x512xf32>
    %swap3A_204 = vector.shape_cast %broadcast_in_dim3A_198 : vector<64x512xf32> to vector<1x64x512xf32>
    tpu.vector_store %arg6[%swap3A_199, %swap3A_200, %swap3A_201], %swap3A_204 {strides = array<i32>} : memref<77x64x512xf32, #tpu.memory_space<vmem>>, vector<1x64x512xf32>,
    %get3A_205 = arith.constant 3 : index
    %get3A_206 = arith.constant 0 : index
    %get3A_207 = vector.load %arg5[%get3A_205, %get3A_206] : memref<62x512xf32, #tpu.memory_space<vmem>>, vector<1x512xf32>
    %get3A_208 = vector.shape_cast %get3A_207 : vector<1x512xf32> to vector<512xf32>
    %broadcast_in_dim3A_209 = vector.shape_cast %get3A_208 : vector<512xf32> to vector<1x512xf32>
    %broadcast_in_dim3A_210 = vector.broadcast %broadcast_in_dim3A_209 : vector<1x512xf32> to vector<64x512xf32>
    %swap3A_211 = arith.constant 18 : index
    %swap3A_212 = arith.constant 0 : index
    %swap3A_213 = arith.constant 0 : index
    %swap3A_214 = vector.load %arg6[%swap3A_211, %swap3A_212, %swap3A_213] : memref<77x64x512xf32, #tpu.memory_space<vmem>>, vector<1x64x512xf32>
    %swap3A_215 = vector.shape_cast %swap3A_214 : vector<1x64x512xf32> to vector<64x512xf32>
    %swap3A_216 = vector.shape_cast %broadcast_in_dim3A_210 : vector<64x512xf32> to vector<1x64x512xf32>
    tpu.vector_store %arg6[%swap3A_211, %swap3A_212, %swap3A_213], %swap3A_216 {strides = array<i32>} : memref<77x64x512xf32, #tpu.memory_space<vmem>>, vector<1x64x512xf32>,
    %get3A_217 = arith.constant 4 : index
    %get3A_218 = arith.constant 0 : index
    %get3A_219 = vector.load %arg5[%get3A_217, %get3A_218] : memref<62x512xf32, #tpu.memory_space<vmem>>, vector<1x512xf32>
    %get3A_220 = vector.shape_cast %get3A_219 : vector<1x512xf32> to vector<512xf32>
    %broadcast_in_dim3A_221 = vector.shape_cast %get3A_220 : vector<512xf32> to vector<1x512xf32>
    %broadcast_in_dim3A_222 = vector.broadcast %broadcast_in_dim3A_221 : vector<1x512xf32> to vector<64x512xf32>
    %swap3A_223 = arith.constant 19 : index
    %swap3A_224 = arith.constant 0 : index
    %swap3A_225 = arith.constant 0 : index
    %swap3A_226 = vector.load %arg6[%swap3A_223, %swap3A_224, %swap3A_225] : memref<77x64x512xf32, #tpu.memory_space<vmem>>, vector<1x64x512xf32>
    %swap3A_227 = vector.shape_cast %swap3A_226 : vector<1x64x512xf32> to vector<64x512xf32>
    %swap3A_228 = vector.shape_cast %broadcast_in_dim3A_222 : vector<64x512xf32> to vector<1x64x512xf32>
    tpu.vector_store %arg6[%swap3A_223, %swap3A_224, %swap3A_225], %swap3A_228 {strides = array<i32>} : memref<77x64x512xf32, #tpu.memory_space<vmem>>, vector<1x64x512xf32>,
    %get3A_229 = arith.constant 5 : index
    %get3A_230 = arith.constant 0 : index
    %get3A_231 = vector.load %arg5[%get3A_229, %get3A_230] : memref<62x512xf32, #tpu.memory_space<vmem>>, vector<1x512xf32>
    %get3A_232 = vector.shape_cast %get3A_231 : vector<1x512xf32> to vector<512xf32>
    %broadcast_in_dim3A_233 = vector.shape_cast %get3A_232 : vector<512xf32> to vector<1x512xf32>
    %broadcast_in_dim3A_234 = vector.broadcast %broadcast_in_dim3A_233 : vector<1x512xf32> to vector<64x512xf32>
    %swap3A_235 = arith.constant 20 : index
    %swap3A_236 = arith.constant 0 : index
    %swap3A_237 = arith.constant 0 : index
    %swap3A_238 = vector.load %arg6[%swap3A_235, %swap3A_236, %swap3A_237] : memref<77x64x512xf32, #tpu.memory_space<vmem>>, vector<1x64x512xf32>
    %swap3A_239 = vector.shape_cast %swap3A_238 : vector<1x64x512xf32> to vector<64x512xf32>
    %swap3A_240 = vector.shape_cast %broadcast_in_dim3A_234 : vector<64x512xf32> to vector<1x64x512xf32>
    tpu.vector_store %arg6[%swap3A_235, %swap3A_236, %swap3A_237], %swap3A_240 {strides = array<i32>} : memref<77x64x512xf32, #tpu.memory_space<vmem>>, vector<1x64x512xf32>,
    %get3A_241 = arith.constant 6 : index
    %get3A_242 = arith.constant 0 : index
    %get3A_243 = vector.load %arg5[%get3A_241, %get3A_242] : memref<62x512xf32, #tpu.memory_space<vmem>>, vector<1x512xf32>
    %get3A_244 = vector.shape_cast %get3A_243 : vector<1x512xf32> to vector<512xf32>
    %broadcast_in_dim3A_245 = vector.shape_cast %get3A_244 : vector<512xf32> to vector<1x512xf32>
    %broadcast_in_dim3A_246 = vector.broadcast %broadcast_in_dim3A_245 : vector<1x512xf32> to vector<64x512xf32>
    %swap3A_247 = arith.constant 21 : index
    %swap3A_248 = arith.constant 0 : index
    %swap3A_249 = arith.constant 0 : index
    %swap3A_250 = vector.load %arg6[%swap3A_247, %swap3A_248, %swap3A_249] : memref<77x64x512xf32, #tpu.memory_space<vmem>>, vector<1x64x512xf32>
    %swap3A_251 = vector.shape_cast %swap3A_250 : vector<1x64x512xf32> to vector<64x512xf32>
    %swap3A_252 = vector.shape_cast %broadcast_in_dim3A_246 : vector<64x512xf32> to vector<1x64x512xf32>
    tpu.vector_store %arg6[%swap3A_247, %swap3A_248, %swap3A_249], %swap3A_252 {strides = array<i32>} : memref<77x64x512xf32, #tpu.memory_space<vmem>>, vector<1x64x512xf32>,
    %get3A_253 = arith.constant 7 : index
    %get3A_254 = arith.constant 0 : index
    %get3A_255 = vector.load %arg5[%get3A_253, %get3A_254] : memref<62x512xf32, #tpu.memory_space<vmem>>, vector<1x512xf32>
    %get3A_256 = vector.shape_cast %get3A_255 : vector<1x512xf32> to vector<512xf32>
    %broadcast_in_dim3A_257 = vector.shape_cast %get3A_256 : vector<512xf32> to vector<1x512xf32>
    %broadcast_in_dim3A_258 = vector.broadcast %broadcast_in_dim3A_257 : vector<1x512xf32> to vector<64x512xf32>
    %swap3A_259 = arith.constant 22 : index
    %swap3A_260 = arith.constant 0 : index
    %swap3A_261 = arith.constant 0 : index
    %swap3A_262 = vector.load %arg6[%swap3A_259, %swap3A_260, %swap3A_261] : memref<77x64x512xf32, #tpu.memory_space<vmem>>, vector<1x64x512xf32>
    %swap3A_263 = vector.shape_cast %swap3A_262 : vector<1x64x512xf32> to vector<64x512xf32>
    %swap3A_264 = vector.shape_cast %broadcast_in_dim3A_258 : vector<64x512xf32> to vector<1x64x512xf32>
    tpu.vector_store %arg6[%swap3A_259, %swap3A_260, %swap3A_261], %swap3A_264 {strides = array<i32>} : memref<77x64x512xf32, #tpu.memory_space<vmem>>, vector<1x64x512xf32>,
    %get3A_265 = arith.constant 8 : index
    %get3A_266 = arith.constant 0 : index
    %get3A_267 = vector.load %arg5[%get3A_265, %get3A_266] : memref<62x512xf32, #tpu.memory_space<vmem>>, vector<1x512xf32>
    %get3A_268 = vector.shape_cast %get3A_267 : vector<1x512xf32> to vector<512xf32>
    %broadcast_in_dim3A_269 = vector.shape_cast %get3A_268 : vector<512xf32> to vector<1x512xf32>
    %broadcast_in_dim3A_270 = vector.broadcast %broadcast_in_dim3A_269 : vector<1x512xf32> to vector<64x512xf32>
    %swap3A_271 = arith.constant 23 : index
    %swap3A_272 = arith.constant 0 : index
    %swap3A_273 = arith.constant 0 : index
    %swap3A_274 = vector.load %arg6[%swap3A_271, %swap3A_272, %swap3A_273] : memref<77x64x512xf32, #tpu.memory_space<vmem>>, vector<1x64x512xf32>
    %swap3A_275 = vector.shape_cast %swap3A_274 : vector<1x64x512xf32> to vector<64x512xf32>
    %swap3A_276 = vector.shape_cast %broadcast_in_dim3A_270 : vector<64x512xf32> to vector<1x64x512xf32>
    tpu.vector_store %arg6[%swap3A_271, %swap3A_272, %swap3A_273], %swap3A_276 {strides = array<i32>} : memref<77x64x512xf32, #tpu.memory_space<vmem>>, vector<1x64x512xf32>,
    %get3A_277 = arith.constant 9 : index
    %get3A_278 = arith.constant 0 : index
    %get3A_279 = vector.load %arg5[%get3A_277, %get3A_278] : memref<62x512xf32, #tpu.memory_space<vmem>>, vector<1x512xf32>
    %get3A_280 = vector.shape_cast %get3A_279 : vector<1x512xf32> to vector<512xf32>
    %broadcast_in_dim3A_281 = vector.shape_cast %get3A_280 : vector<512xf32> to vector<1x512xf32>
    %broadcast_in_dim3A_282 = vector.broadcast %broadcast_in_dim3A_281 : vector<1x512xf32> to vector<64x512xf32>
    %swap3A_283 = arith.constant 24 : index
    %swap3A_284 = arith.constant 0 : index
    %swap3A_285 = arith.constant 0 : index
    %swap3A_286 = vector.load %arg6[%swap3A_283, %swap3A_284, %swap3A_285] : memref<77x64x512xf32, #tpu.memory_space<vmem>>, vector<1x64x512xf32>
    %swap3A_287 = vector.shape_cast %swap3A_286 : vector<1x64x512xf32> to vector<64x512xf32>
    %swap3A_288 = vector.shape_cast %broadcast_in_dim3A_282 : vector<64x512xf32> to vector<1x64x512xf32>
    tpu.vector_store %arg6[%swap3A_283, %swap3A_284, %swap3A_285], %swap3A_288 {strides = array<i32>} : memref<77x64x512xf32, #tpu.memory_space<vmem>>, vector<1x64x512xf32>,
    %get3A_289 = arith.constant 10 : index
    %get3A_290 = arith.constant 0 : index
    %get3A_291 = vector.load %arg5[%get3A_289, %get3A_290] : memref<62x512xf32, #tpu.memory_space<vmem>>, vector<1x512xf32>
    %get3A_292 = vector.shape_cast %get3A_291 : vector<1x512xf32> to vector<512xf32>
    %broadcast_in_dim3A_293 = vector.shape_cast %get3A_292 : vector<512xf32> to vector<1x512xf32>
    %broadcast_in_dim3A_294 = vector.broadcast %broadcast_in_dim3A_293 : vector<1x512xf32> to vector<64x512xf32>
    %swap3A_295 = arith.constant 25 : index
    %swap3A_296 = arith.constant 0 : index
    %swap3A_297 = arith.constant 0 : index
    %swap3A_298 = vector.load %arg6[%swap3A_295, %swap3A_296, %swap3A_297] : memref<77x64x512xf32, #tpu.memory_space<vmem>>, vector<1x64x512xf32>
    %swap3A_299 = vector.shape_cast %swap3A_298 : vector<1x64x512xf32> to vector<64x512xf32>
    %swap3A_300 = vector.shape_cast %broadcast_in_dim3A_294 : vector<64x512xf32> to vector<1x64x512xf32>
    tpu.vector_store %arg6[%swap3A_295, %swap3A_296, %swap3A_297], %swap3A_300 {strides = array<i32>} : memref<77x64x512xf32, #tpu.memory_space<vmem>>, vector<1x64x512xf32>,
    %get3A_301 = arith.constant 11 : index
    %get3A_302 = arith.constant 0 : index
    %get3A_303 = vector.load %arg5[%get3A_301, %get3A_302] : memref<62x512xf32, #tpu.memory_space<vmem>>, vector<1x512xf32>
    %get3A_304 = vector.shape_cast %get3A_303 : vector<1x512xf32> to vector<512xf32>
    %broadcast_in_dim3A_305 = vector.shape_cast %get3A_304 : vector<512xf32> to vector<1x512xf32>
    %broadcast_in_dim3A_306 = vector.broadcast %broadcast_in_dim3A_305 : vector<1x512xf32> to vector<64x512xf32>
    %swap3A_307 = arith.constant 26 : index
    %swap3A_308 = arith.constant 0 : index
    %swap3A_309 = arith.constant 0 : index
    %swap3A_310 = vector.load %arg6[%swap3A_307, %swap3A_308, %swap3A_309] : memref<77x64x512xf32, #tpu.memory_space<vmem>>, vector<1x64x512xf32>
    %swap3A_311 = vector.shape_cast %swap3A_310 : vector<1x64x512xf32> to vector<64x512xf32>
    %swap3A_312 = vector.shape_cast %broadcast_in_dim3A_306 : vector<64x512xf32> to vector<1x64x512xf32>
    tpu.vector_store %arg6[%swap3A_307, %swap3A_308, %swap3A_309], %swap3A_312 {strides = array<i32>} : memref<77x64x512xf32, #tpu.memory_space<vmem>>, vector<1x64x512xf32>,
    %get3A_313 = arith.constant 12 : index
    %get3A_314 = arith.constant 0 : index
    %get3A_315 = vector.load %arg5[%get3A_313, %get3A_314] : memref<62x512xf32, #tpu.memory_space<vmem>>, vector<1x512xf32>
    %get3A_316 = vector.shape_cast %get3A_315 : vector<1x512xf32> to vector<512xf32>
    %broadcast_in_dim3A_317 = vector.shape_cast %get3A_316 : vector<512xf32> to vector<1x512xf32>
    %broadcast_in_dim3A_318 = vector.broadcast %broadcast_in_dim3A_317 : vector<1x512xf32> to vector<64x512xf32>
    %swap3A_319 = arith.constant 27 : index
    %swap3A_320 = arith.constant 0 : index
    %swap3A_321 = arith.constant 0 : index
    %swap3A_322 = vector.load %arg6[%swap3A_319, %swap3A_320, %swap3A_321] : memref<77x64x512xf32, #tpu.memory_space<vmem>>, vector<1x64x512xf32>
    %swap3A_323 = vector.shape_cast %swap3A_322 : vector<1x64x512xf32> to vector<64x512xf32>
    %swap3A_324 = vector.shape_cast %broadcast_in_dim3A_318 : vector<64x512xf32> to vector<1x64x512xf32>
    tpu.vector_store %arg6[%swap3A_319, %swap3A_320, %swap3A_321], %swap3A_324 {strides = array<i32>} : memref<77x64x512xf32, #tpu.memory_space<vmem>>, vector<1x64x512xf32>,
    %get3A_325 = arith.constant 13 : index
    %get3A_326 = arith.constant 0 : index
    %get3A_327 = vector.load %arg5[%get3A_325, %get3A_326] : memref<62x512xf32, #tpu.memory_space<vmem>>, vector<1x512xf32>
    %get3A_328 = vector.shape_cast %get3A_327 : vector<1x512xf32> to vector<512xf32>
    %broadcast_in_dim3A_329 = vector.shape_cast %get3A_328 : vector<512xf32> to vector<1x512xf32>
    %broadcast_in_dim3A_330 = vector.broadcast %broadcast_in_dim3A_329 : vector<1x512xf32> to vector<64x512xf32>
    %swap3A_331 = arith.constant 28 : index
    %swap3A_332 = arith.constant 0 : index
    %swap3A_333 = arith.constant 0 : index
    %swap3A_334 = vector.load %arg6[%swap3A_331, %swap3A_332, %swap3A_333] : memref<77x64x512xf32, #tpu.memory_space<vmem>>, vector<1x64x512xf32>
    %swap3A_335 = vector.shape_cast %swap3A_334 : vector<1x64x512xf32> to vector<64x512xf32>
    %swap3A_336 = vector.shape_cast %broadcast_in_dim3A_330 : vector<64x512xf32> to vector<1x64x512xf32>
    tpu.vector_store %arg6[%swap3A_331, %swap3A_332, %swap3A_333], %swap3A_336 {strides = array<i32>} : memref<77x64x512xf32, #tpu.memory_space<vmem>>, vector<1x64x512xf32>,
    %get3A_337 = arith.constant 14 : index
    %get3A_338 = arith.constant 0 : index
    %get3A_339 = vector.load %arg5[%get3A_337, %get3A_338] : memref<62x512xf32, #tpu.memory_space<vmem>>, vector<1x512xf32>
    %get3A_340 = vector.shape_cast %get3A_339 : vector<1x512xf32> to vector<512xf32>
    %broadcast_in_dim3A_341 = vector.shape_cast %get3A_340 : vector<512xf32> to vector<1x512xf32>
    %broadcast_in_dim3A_342 = vector.broadcast %broadcast_in_dim3A_341 : vector<1x512xf32> to vector<64x512xf32>
    %swap3A_343 = arith.constant 29 : index
    %swap3A_344 = arith.constant 0 : index
    %swap3A_345 = arith.constant 0 : index
    %swap3A_346 = vector.load %arg6[%swap3A_343, %swap3A_344, %swap3A_345] : memref<77x64x512xf32, #tpu.memory_space<vmem>>, vector<1x64x512xf32>
    %swap3A_347 = vector.shape_cast %swap3A_346 : vector<1x64x512xf32> to vector<64x512xf32>
    %swap3A_348 = vector.shape_cast %broadcast_in_dim3A_342 : vector<64x512xf32> to vector<1x64x512xf32>
    tpu.vector_store %arg6[%swap3A_343, %swap3A_344, %swap3A_345], %swap3A_348 {strides = array<i32>} : memref<77x64x512xf32, #tpu.memory_space<vmem>>, vector<1x64x512xf32>,
    %get3A_349 = arith.constant 15 : index
    %get3A_350 = arith.constant 0 : index
    %get3A_351 = vector.load %arg5[%get3A_349, %get3A_350] : memref<62x512xf32, #tpu.memory_space<vmem>>, vector<1x512xf32>
    %get3A_352 = vector.shape_cast %get3A_351 : vector<1x512xf32> to vector<512xf32>
    %broadcast_in_dim3A_353 = vector.shape_cast %get3A_352 : vector<512xf32> to vector<1x512xf32>
    %broadcast_in_dim3A_354 = vector.broadcast %broadcast_in_dim3A_353 : vector<1x512xf32> to vector<64x512xf32>
    %swap3A_355 = arith.constant 30 : index
    %swap3A_356 = arith.constant 0 : index
    %swap3A_357 = arith.constant 0 : index
    %swap3A_358 = vector.load %arg6[%swap3A_355, %swap3A_356, %swap3A_357] : memref<77x64x512xf32, #tpu.memory_space<vmem>>, vector<1x64x512xf32>
    %swap3A_359 = vector.shape_cast %swap3A_358 : vector<1x64x512xf32> to vector<64x512xf32>
    %swap3A_360 = vector.shape_cast %broadcast_in_dim3A_354 : vector<64x512xf32> to vector<1x64x512xf32>
    tpu.vector_store %arg6[%swap3A_355, %swap3A_356, %swap3A_357], %swap3A_360 {strides = array<i32>} : memref<77x64x512xf32, #tpu.memory_space<vmem>>, vector<1x64x512xf32>,
    %get3A_361 = arith.constant 16 : index
    %get3A_362 = arith.constant 0 : index
    %get3A_363 = vector.load %arg5[%get3A_361, %get3A_362] : memref<62x512xf32, #tpu.memory_space<vmem>>, vector<1x512xf32>
    %get3A_364 = vector.shape_cast %get3A_363 : vector<1x512xf32> to vector<512xf32>
    %broadcast_in_dim3A_365 = vector.shape_cast %get3A_364 : vector<512xf32> to vector<1x512xf32>
    %broadcast_in_dim3A_366 = vector.broadcast %broadcast_in_dim3A_365 : vector<1x512xf32> to vector<64x512xf32>
    %swap3A_367 = arith.constant 31 : index
    %swap3A_368 = arith.constant 0 : index
    %swap3A_369 = arith.constant 0 : index
    %swap3A_370 = vector.load %arg6[%swap3A_367, %swap3A_368, %swap3A_369] : memref<77x64x512xf32, #tpu.memory_space<vmem>>, vector<1x64x512xf32>
    %swap3A_371 = vector.shape_cast %swap3A_370 : vector<1x64x512xf32> to vector<64x512xf32>
    %swap3A_372 = vector.shape_cast %broadcast_in_dim3A_366 : vector<64x512xf32> to vector<1x64x512xf32>
    tpu.vector_store %arg6[%swap3A_367, %swap3A_368, %swap3A_369], %swap3A_372 {strides = array<i32>} : memref<77x64x512xf32, #tpu.memory_space<vmem>>, vector<1x64x512xf32>,
    %get3A_373 = arith.constant 17 : index
    %get3A_374 = arith.constant 0 : index
    %get3A_375 = vector.load %arg5[%get3A_373, %get3A_374] : memref<62x512xf32, #tpu.memory_space<vmem>>, vector<1x512xf32>
    %get3A_376 = vector.shape_cast %get3A_375 : vector<1x512xf32> to vector<512xf32>
    %broadcast_in_dim3A_377 = vector.shape_cast %get3A_376 : vector<512xf32> to vector<1x512xf32>
    %broadcast_in_dim3A_378 = vector.broadcast %broadcast_in_dim3A_377 : vector<1x512xf32> to vector<64x512xf32>
    %swap3A_379 = arith.constant 32 : index
    %swap3A_380 = arith.constant 0 : index
    %swap3A_381 = arith.constant 0 : index
    %swap3A_382 = vector.load %arg6[%swap3A_379, %swap3A_380, %swap3A_381] : memref<77x64x512xf32, #tpu.memory_space<vmem>>, vector<1x64x512xf32>
    %swap3A_383 = vector.shape_cast %swap3A_382 : vector<1x64x512xf32> to vector<64x512xf32>
    %swap3A_384 = vector.shape_cast %broadcast_in_dim3A_378 : vector<64x512xf32> to vector<1x64x512xf32>
    tpu.vector_store %arg6[%swap3A_379, %swap3A_380, %swap3A_381], %swap3A_384 {strides = array<i32>} : memref<77x64x512xf32, #tpu.memory_space<vmem>>, vector<1x64x512xf32>,
    %get3A_385 = arith.constant 18 : index
    %get3A_386 = arith.constant 0 : index
    %get3A_387 = vector.load %arg5[%get3A_385, %get3A_386] : memref<62x512xf32, #tpu.memory_space<vmem>>, vector<1x512xf32>
    %get3A_388 = vector.shape_cast %get3A_387 : vector<1x512xf32> to vector<512xf32>
    %broadcast_in_dim3A_389 = vector.shape_cast %get3A_388 : vector<512xf32> to vector<1x512xf32>
    %broadcast_in_dim3A_390 = vector.broadcast %broadcast_in_dim3A_389 : vector<1x512xf32> to vector<64x512xf32>
    %swap3A_391 = arith.constant 33 : index
    %swap3A_392 = arith.constant 0 : index
    %swap3A_393 = arith.constant 0 : index
    %swap3A_394 = vector.load %arg6[%swap3A_391, %swap3A_392, %swap3A_393] : memref<77x64x512xf32, #tpu.memory_space<vmem>>, vector<1x64x512xf32>
    %swap3A_395 = vector.shape_cast %swap3A_394 : vector<1x64x512xf32> to vector<64x512xf32>
    %swap3A_396 = vector.shape_cast %broadcast_in_dim3A_390 : vector<64x512xf32> to vector<1x64x512xf32>
    tpu.vector_store %arg6[%swap3A_391, %swap3A_392, %swap3A_393], %swap3A_396 {strides = array<i32>} : memref<77x64x512xf32, #tpu.memory_space<vmem>>, vector<1x64x512xf32>,
    %get3A_397 = arith.constant 19 : index
    %get3A_398 = arith.constant 0 : index
    %get3A_399 = vector.load %arg5[%get3A_397, %get3A_398] : memref<62x512xf32, #tpu.memory_space<vmem>>, vector<1x512xf32>
    %get3A_400 = vector.shape_cast %get3A_399 : vector<1x512xf32> to vector<512xf32>
    %broadcast_in_dim3A_401 = vector.shape_cast %get3A_400 : vector<512xf32> to vector<1x512xf32>
    %broadcast_in_dim3A_402 = vector.broadcast %broadcast_in_dim3A_401 : vector<1x512xf32> to vector<64x512xf32>
    %swap3A_403 = arith.constant 34 : index
    %swap3A_404 = arith.constant 0 : index
    %swap3A_405 = arith.constant 0 : index
    %swap3A_406 = vector.load %arg6[%swap3A_403, %swap3A_404, %swap3A_405] : memref<77x64x512xf32, #tpu.memory_space<vmem>>, vector<1x64x512xf32>
    %swap3A_407 = vector.shape_cast %swap3A_406 : vector<1x64x512xf32> to vector<64x512xf32>
    %swap3A_408 = vector.shape_cast %broadcast_in_dim3A_402 : vector<64x512xf32> to vector<1x64x512xf32>
    tpu.vector_store %arg6[%swap3A_403, %swap3A_404, %swap3A_405], %swap3A_408 {strides = array<i32>} : memref<77x64x512xf32, #tpu.memory_space<vmem>>, vector<1x64x512xf32>,
    %get3A_409 = arith.constant 20 : index
    %get3A_410 = arith.constant 0 : index
    %get3A_411 = vector.load %arg5[%get3A_409, %get3A_410] : memref<62x512xf32, #tpu.memory_space<vmem>>, vector<1x512xf32>
    %get3A_412 = vector.shape_cast %get3A_411 : vector<1x512xf32> to vector<512xf32>
    %broadcast_in_dim3A_413 = vector.shape_cast %get3A_412 : vector<512xf32> to vector<1x512xf32>
    %broadcast_in_dim3A_414 = vector.broadcast %broadcast_in_dim3A_413 : vector<1x512xf32> to vector<64x512xf32>
    %swap3A_415 = arith.constant 35 : index
    %swap3A_416 = arith.constant 0 : index
    %swap3A_417 = arith.constant 0 : index
    %swap3A_418 = vector.load %arg6[%swap3A_415, %swap3A_416, %swap3A_417] : memref<77x64x512xf32, #tpu.memory_space<vmem>>, vector<1x64x512xf32>
    %swap3A_419 = vector.shape_cast %swap3A_418 : vector<1x64x512xf32> to vector<64x512xf32>
    %swap3A_420 = vector.shape_cast %broadcast_in_dim3A_414 : vector<64x512xf32> to vector<1x64x512xf32>
    tpu.vector_store %arg6[%swap3A_415, %swap3A_416, %swap3A_417], %swap3A_420 {strides = array<i32>} : memref<77x64x512xf32, #tpu.memory_space<vmem>>, vector<1x64x512xf32>,
    %get3A_421 = arith.constant 21 : index
    %get3A_422 = arith.constant 0 : index
    %get3A_423 = vector.load %arg5[%get3A_421, %get3A_422] : memref<62x512xf32, #tpu.memory_space<vmem>>, vector<1x512xf32>
    %get3A_424 = vector.shape_cast %get3A_423 : vector<1x512xf32> to vector<512xf32>
    %broadcast_in_dim3A_425 = vector.shape_cast %get3A_424 : vector<512xf32> to vector<1x512xf32>
    %broadcast_in_dim3A_426 = vector.broadcast %broadcast_in_dim3A_425 : vector<1x512xf32> to vector<64x512xf32>
    %swap3A_427 = arith.constant 36 : index
    %swap3A_428 = arith.constant 0 : index
    %swap3A_429 = arith.constant 0 : index
    %swap3A_430 = vector.load %arg6[%swap3A_427, %swap3A_428, %swap3A_429] : memref<77x64x512xf32, #tpu.memory_space<vmem>>, vector<1x64x512xf32>
    %swap3A_431 = vector.shape_cast %swap3A_430 : vector<1x64x512xf32> to vector<64x512xf32>
    %swap3A_432 = vector.shape_cast %broadcast_in_dim3A_426 : vector<64x512xf32> to vector<1x64x512xf32>
    tpu.vector_store %arg6[%swap3A_427, %swap3A_428, %swap3A_429], %swap3A_432 {strides = array<i32>} : memref<77x64x512xf32, #tpu.memory_space<vmem>>, vector<1x64x512xf32>,
    %get3A_433 = arith.constant 22 : index
    %get3A_434 = arith.constant 0 : index
    %get3A_435 = vector.load %arg5[%get3A_433, %get3A_434] : memref<62x512xf32, #tpu.memory_space<vmem>>, vector<1x512xf32>
    %get3A_436 = vector.shape_cast %get3A_435 : vector<1x512xf32> to vector<512xf32>
    %broadcast_in_dim3A_437 = vector.shape_cast %get3A_436 : vector<512xf32> to vector<1x512xf32>
    %broadcast_in_dim3A_438 = vector.broadcast %broadcast_in_dim3A_437 : vector<1x512xf32> to vector<64x512xf32>
    %swap3A_439 = arith.constant 37 : index
    %swap3A_440 = arith.constant 0 : index
    %swap3A_441 = arith.constant 0 : index
    %swap3A_442 = vector.load %arg6[%swap3A_439, %swap3A_440, %swap3A_441] : memref<77x64x512xf32, #tpu.memory_space<vmem>>, vector<1x64x512xf32>
    %swap3A_443 = vector.shape_cast %swap3A_442 : vector<1x64x512xf32> to vector<64x512xf32>
    %swap3A_444 = vector.shape_cast %broadcast_in_dim3A_438 : vector<64x512xf32> to vector<1x64x512xf32>
    tpu.vector_store %arg6[%swap3A_439, %swap3A_440, %swap3A_441], %swap3A_444 {strides = array<i32>} : memref<77x64x512xf32, #tpu.memory_space<vmem>>, vector<1x64x512xf32>,
    %get3A_445 = arith.constant 23 : index
    %get3A_446 = arith.constant 0 : index
    %get3A_447 = vector.load %arg5[%get3A_445, %get3A_446] : memref<62x512xf32, #tpu.memory_space<vmem>>, vector<1x512xf32>
    %get3A_448 = vector.shape_cast %get3A_447 : vector<1x512xf32> to vector<512xf32>
    %broadcast_in_dim3A_449 = vector.shape_cast %get3A_448 : vector<512xf32> to vector<1x512xf32>
    %broadcast_in_dim3A_450 = vector.broadcast %broadcast_in_dim3A_449 : vector<1x512xf32> to vector<64x512xf32>
    %swap3A_451 = arith.constant 38 : index
    %swap3A_452 = arith.constant 0 : index
    %swap3A_453 = arith.constant 0 : index
    %swap3A_454 = vector.load %arg6[%swap3A_451, %swap3A_452, %swap3A_453] : memref<77x64x512xf32, #tpu.memory_space<vmem>>, vector<1x64x512xf32>
    %swap3A_455 = vector.shape_cast %swap3A_454 : vector<1x64x512xf32> to vector<64x512xf32>
    %swap3A_456 = vector.shape_cast %broadcast_in_dim3A_450 : vector<64x512xf32> to vector<1x64x512xf32>
    tpu.vector_store %arg6[%swap3A_451, %swap3A_452, %swap3A_453], %swap3A_456 {strides = array<i32>} : memref<77x64x512xf32, #tpu.memory_space<vmem>>, vector<1x64x512xf32>,
    %get3A_457 = arith.constant 24 : index
    %get3A_458 = arith.constant 0 : index
    %get3A_459 = vector.load %arg5[%get3A_457, %get3A_458] : memref<62x512xf32, #tpu.memory_space<vmem>>, vector<1x512xf32>
    %get3A_460 = vector.shape_cast %get3A_459 : vector<1x512xf32> to vector<512xf32>
    %broadcast_in_dim3A_461 = vector.shape_cast %get3A_460 : vector<512xf32> to vector<1x512xf32>
    %broadcast_in_dim3A_462 = vector.broadcast %broadcast_in_dim3A_461 : vector<1x512xf32> to vector<64x512xf32>
    %swap3A_463 = arith.constant 39 : index
    %swap3A_464 = arith.constant 0 : index
    %swap3A_465 = arith.constant 0 : index
    %swap3A_466 = vector.load %arg6[%swap3A_463, %swap3A_464, %swap3A_465] : memref<77x64x512xf32, #tpu.memory_space<vmem>>, vector<1x64x512xf32>
    %swap3A_467 = vector.shape_cast %swap3A_466 : vector<1x64x512xf32> to vector<64x512xf32>
    %swap3A_468 = vector.shape_cast %broadcast_in_dim3A_462 : vector<64x512xf32> to vector<1x64x512xf32>
    tpu.vector_store %arg6[%swap3A_463, %swap3A_464, %swap3A_465], %swap3A_468 {strides = array<i32>} : memref<77x64x512xf32, #tpu.memory_space<vmem>>, vector<1x64x512xf32>,
    %get3A_469 = arith.constant 25 : index
    %get3A_470 = arith.constant 0 : index
    %get3A_471 = vector.load %arg5[%get3A_469, %get3A_470] : memref<62x512xf32, #tpu.memory_space<vmem>>, vector<1x512xf32>
    %get3A_472 = vector.shape_cast %get3A_471 : vector<1x512xf32> to vector<512xf32>
    %broadcast_in_dim3A_473 = vector.shape_cast %get3A_472 : vector<512xf32> to vector<1x512xf32>
    %broadcast_in_dim3A_474 = vector.broadcast %broadcast_in_dim3A_473 : vector<1x512xf32> to vector<64x512xf32>
    %swap3A_475 = arith.constant 40 : index
    %swap3A_476 = arith.constant 0 : index
    %swap3A_477 = arith.constant 0 : index
    %swap3A_478 = vector.load %arg6[%swap3A_475, %swap3A_476, %swap3A_477] : memref<77x64x512xf32, #tpu.memory_space<vmem>>, vector<1x64x512xf32>
    %swap3A_479 = vector.shape_cast %swap3A_478 : vector<1x64x512xf32> to vector<64x512xf32>
    %swap3A_480 = vector.shape_cast %broadcast_in_dim3A_474 : vector<64x512xf32> to vector<1x64x512xf32>
    tpu.vector_store %arg6[%swap3A_475, %swap3A_476, %swap3A_477], %swap3A_480 {strides = array<i32>} : memref<77x64x512xf32, #tpu.memory_space<vmem>>, vector<1x64x512xf32>,
    %get3A_481 = arith.constant 26 : index
    %get3A_482 = arith.constant 0 : index
    %get3A_483 = vector.load %arg5[%get3A_481, %get3A_482] : memref<62x512xf32, #tpu.memory_space<vmem>>, vector<1x512xf32>
    %get3A_484 = vector.shape_cast %get3A_483 : vector<1x512xf32> to vector<512xf32>
    %broadcast_in_dim3A_485 = vector.shape_cast %get3A_484 : vector<512xf32> to vector<1x512xf32>
    %broadcast_in_dim3A_486 = vector.broadcast %broadcast_in_dim3A_485 : vector<1x512xf32> to vector<64x512xf32>
    %swap3A_487 = arith.constant 41 : index
    %swap3A_488 = arith.constant 0 : index
    %swap3A_489 = arith.constant 0 : index
    %swap3A_490 = vector.load %arg6[%swap3A_487, %swap3A_488, %swap3A_489] : memref<77x64x512xf32, #tpu.memory_space<vmem>>, vector<1x64x512xf32>
    %swap3A_491 = vector.shape_cast %swap3A_490 : vector<1x64x512xf32> to vector<64x512xf32>
    %swap3A_492 = vector.shape_cast %broadcast_in_dim3A_486 : vector<64x512xf32> to vector<1x64x512xf32>
    tpu.vector_store %arg6[%swap3A_487, %swap3A_488, %swap3A_489], %swap3A_492 {strides = array<i32>} : memref<77x64x512xf32, #tpu.memory_space<vmem>>, vector<1x64x512xf32>,
    %get3A_493 = arith.constant 27 : index
    %get3A_494 = arith.constant 0 : index
    %get3A_495 = vector.load %arg5[%get3A_493, %get3A_494] : memref<62x512xf32, #tpu.memory_space<vmem>>, vector<1x512xf32>
    %get3A_496 = vector.shape_cast %get3A_495 : vector<1x512xf32> to vector<512xf32>
    %broadcast_in_dim3A_497 = vector.shape_cast %get3A_496 : vector<512xf32> to vector<1x512xf32>
    %broadcast_in_dim3A_498 = vector.broadcast %broadcast_in_dim3A_497 : vector<1x512xf32> to vector<64x512xf32>
    %swap3A_499 = arith.constant 42 : index
    %swap3A_500 = arith.constant 0 : index
    %swap3A_501 = arith.constant 0 : index
    %swap3A_502 = vector.load %arg6[%swap3A_499, %swap3A_500, %swap3A_501] : memref<77x64x512xf32, #tpu.memory_space<vmem>>, vector<1x64x512xf32>
    %swap3A_503 = vector.shape_cast %swap3A_502 : vector<1x64x512xf32> to vector<64x512xf32>
    %swap3A_504 = vector.shape_cast %broadcast_in_dim3A_498 : vector<64x512xf32> to vector<1x64x512xf32>
    tpu.vector_store %arg6[%swap3A_499, %swap3A_500, %swap3A_501], %swap3A_504 {strides = array<i32>} : memref<77x64x512xf32, #tpu.memory_space<vmem>>, vector<1x64x512xf32>,
    %get3A_505 = arith.constant 28 : index
    %get3A_506 = arith.constant 0 : index
    %get3A_507 = vector.load %arg5[%get3A_505, %get3A_506] : memref<62x512xf32, #tpu.memory_space<vmem>>, vector<1x512xf32>
    %get3A_508 = vector.shape_cast %get3A_507 : vector<1x512xf32> to vector<512xf32>
    %broadcast_in_dim3A_509 = vector.shape_cast %get3A_508 : vector<512xf32> to vector<1x512xf32>
    %broadcast_in_dim3A_510 = vector.broadcast %broadcast_in_dim3A_509 : vector<1x512xf32> to vector<64x512xf32>
    %swap3A_511 = arith.constant 43 : index
    %swap3A_512 = arith.constant 0 : index
    %swap3A_513 = arith.constant 0 : index
    %swap3A_514 = vector.load %arg6[%swap3A_511, %swap3A_512, %swap3A_513] : memref<77x64x512xf32, #tpu.memory_space<vmem>>, vector<1x64x512xf32>
    %swap3A_515 = vector.shape_cast %swap3A_514 : vector<1x64x512xf32> to vector<64x512xf32>
    %swap3A_516 = vector.shape_cast %broadcast_in_dim3A_510 : vector<64x512xf32> to vector<1x64x512xf32>
    tpu.vector_store %arg6[%swap3A_511, %swap3A_512, %swap3A_513], %swap3A_516 {strides = array<i32>} : memref<77x64x512xf32, #tpu.memory_space<vmem>>, vector<1x64x512xf32>,
    %get3A_517 = arith.constant 29 : index
    %get3A_518 = arith.constant 0 : index
    %get3A_519 = vector.load %arg5[%get3A_517, %get3A_518] : memref<62x512xf32, #tpu.memory_space<vmem>>, vector<1x512xf32>
    %get3A_520 = vector.shape_cast %get3A_519 : vector<1x512xf32> to vector<512xf32>
    %broadcast_in_dim3A_521 = vector.shape_cast %get3A_520 : vector<512xf32> to vector<1x512xf32>
    %broadcast_in_dim3A_522 = vector.broadcast %broadcast_in_dim3A_521 : vector<1x512xf32> to vector<64x512xf32>
    %swap3A_523 = arith.constant 44 : index
    %swap3A_524 = arith.constant 0 : index
    %swap3A_525 = arith.constant 0 : index
    %swap3A_526 = vector.load %arg6[%swap3A_523, %swap3A_524, %swap3A_525] : memref<77x64x512xf32, #tpu.memory_space<vmem>>, vector<1x64x512xf32>
    %swap3A_527 = vector.shape_cast %swap3A_526 : vector<1x64x512xf32> to vector<64x512xf32>
    %swap3A_528 = vector.shape_cast %broadcast_in_dim3A_522 : vector<64x512xf32> to vector<1x64x512xf32>
    tpu.vector_store %arg6[%swap3A_523, %swap3A_524, %swap3A_525], %swap3A_528 {strides = array<i32>} : memref<77x64x512xf32, #tpu.memory_space<vmem>>, vector<1x64x512xf32>,
    %get3A_529 = arith.constant 30 : index
    %get3A_530 = arith.constant 0 : index
    %get3A_531 = vector.load %arg5[%get3A_529, %get3A_530] : memref<62x512xf32, #tpu.memory_space<vmem>>, vector<1x512xf32>
    %get3A_532 = vector.shape_cast %get3A_531 : vector<1x512xf32> to vector<512xf32>
    %broadcast_in_dim3A_533 = vector.shape_cast %get3A_532 : vector<512xf32> to vector<1x512xf32>
    %broadcast_in_dim3A_534 = vector.broadcast %broadcast_in_dim3A_533 : vector<1x512xf32> to vector<64x512xf32>
    %swap3A_535 = arith.constant 45 : index
    %swap3A_536 = arith.constant 0 : index
    %swap3A_537 = arith.constant 0 : index
    %swap3A_538 = vector.load %arg6[%swap3A_535, %swap3A_536, %swap3A_537] : memref<77x64x512xf32, #tpu.memory_space<vmem>>, vector<1x64x512xf32>
    %swap3A_539 = vector.shape_cast %swap3A_538 : vector<1x64x512xf32> to vector<64x512xf32>
    %swap3A_540 = vector.shape_cast %broadcast_in_dim3A_534 : vector<64x512xf32> to vector<1x64x512xf32>
    tpu.vector_store %arg6[%swap3A_535, %swap3A_536, %swap3A_537], %swap3A_540 {strides = array<i32>} : memref<77x64x512xf32, #tpu.memory_space<vmem>>, vector<1x64x512xf32>,
    %get3A_541 = arith.constant 31 : index
    %get3A_542 = arith.constant 0 : index
    %get3A_543 = vector.load %arg5[%get3A_541, %get3A_542] : memref<62x512xf32, #tpu.memory_space<vmem>>, vector<1x512xf32>
    %get3A_544 = vector.shape_cast %get3A_543 : vector<1x512xf32> to vector<512xf32>
    %broadcast_in_dim3A_545 = vector.shape_cast %get3A_544 : vector<512xf32> to vector<1x512xf32>
    %broadcast_in_dim3A_546 = vector.broadcast %broadcast_in_dim3A_545 : vector<1x512xf32> to vector<64x512xf32>
    %swap3A_547 = arith.constant 46 : index
    %swap3A_548 = arith.constant 0 : index
    %swap3A_549 = arith.constant 0 : index
    %swap3A_550 = vector.load %arg6[%swap3A_547, %swap3A_548, %swap3A_549] : memref<77x64x512xf32, #tpu.memory_space<vmem>>, vector<1x64x512xf32>
    %swap3A_551 = vector.shape_cast %swap3A_550 : vector<1x64x512xf32> to vector<64x512xf32>
    %swap3A_552 = vector.shape_cast %broadcast_in_dim3A_546 : vector<64x512xf32> to vector<1x64x512xf32>
    tpu.vector_store %arg6[%swap3A_547, %swap3A_548, %swap3A_549], %swap3A_552 {strides = array<i32>} : memref<77x64x512xf32, #tpu.memory_space<vmem>>, vector<1x64x512xf32>,
    %get3A_553 = arith.constant 32 : index
    %get3A_554 = arith.constant 0 : index
    %get3A_555 = vector.load %arg5[%get3A_553, %get3A_554] : memref<62x512xf32, #tpu.memory_space<vmem>>, vector<1x512xf32>
    %get3A_556 = vector.shape_cast %get3A_555 : vector<1x512xf32> to vector<512xf32>
    %broadcast_in_dim3A_557 = vector.shape_cast %get3A_556 : vector<512xf32> to vector<1x512xf32>
    %broadcast_in_dim3A_558 = vector.broadcast %broadcast_in_dim3A_557 : vector<1x512xf32> to vector<64x512xf32>
    %swap3A_559 = arith.constant 47 : index
    %swap3A_560 = arith.constant 0 : index
    %swap3A_561 = arith.constant 0 : index
    %swap3A_562 = vector.load %arg6[%swap3A_559, %swap3A_560, %swap3A_561] : memref<77x64x512xf32, #tpu.memory_space<vmem>>, vector<1x64x512xf32>
    %swap3A_563 = vector.shape_cast %swap3A_562 : vector<1x64x512xf32> to vector<64x512xf32>
    %swap3A_564 = vector.shape_cast %broadcast_in_dim3A_558 : vector<64x512xf32> to vector<1x64x512xf32>
    tpu.vector_store %arg6[%swap3A_559, %swap3A_560, %swap3A_561], %swap3A_564 {strides = array<i32>} : memref<77x64x512xf32, #tpu.memory_space<vmem>>, vector<1x64x512xf32>,
    %get3A_565 = arith.constant 33 : index
    %get3A_566 = arith.constant 0 : index
    %get3A_567 = vector.load %arg5[%get3A_565, %get3A_566] : memref<62x512xf32, #tpu.memory_space<vmem>>, vector<1x512xf32>
    %get3A_568 = vector.shape_cast %get3A_567 : vector<1x512xf32> to vector<512xf32>
    %broadcast_in_dim3A_569 = vector.shape_cast %get3A_568 : vector<512xf32> to vector<1x512xf32>
    %broadcast_in_dim3A_570 = vector.broadcast %broadcast_in_dim3A_569 : vector<1x512xf32> to vector<64x512xf32>
    %swap3A_571 = arith.constant 48 : index
    %swap3A_572 = arith.constant 0 : index
    %swap3A_573 = arith.constant 0 : index
    %swap3A_574 = vector.load %arg6[%swap3A_571, %swap3A_572, %swap3A_573] : memref<77x64x512xf32, #tpu.memory_space<vmem>>, vector<1x64x512xf32>
    %swap3A_575 = vector.shape_cast %swap3A_574 : vector<1x64x512xf32> to vector<64x512xf32>
    %swap3A_576 = vector.shape_cast %broadcast_in_dim3A_570 : vector<64x512xf32> to vector<1x64x512xf32>
    tpu.vector_store %arg6[%swap3A_571, %swap3A_572, %swap3A_573], %swap3A_576 {strides = array<i32>} : memref<77x64x512xf32, #tpu.memory_space<vmem>>, vector<1x64x512xf32>,
    %get3A_577 = arith.constant 34 : index
    %get3A_578 = arith.constant 0 : index
    %get3A_579 = vector.load %arg5[%get3A_577, %get3A_578] : memref<62x512xf32, #tpu.memory_space<vmem>>, vector<1x512xf32>
    %get3A_580 = vector.shape_cast %get3A_579 : vector<1x512xf32> to vector<512xf32>
    %broadcast_in_dim3A_581 = vector.shape_cast %get3A_580 : vector<512xf32> to vector<1x512xf32>
    %broadcast_in_dim3A_582 = vector.broadcast %broadcast_in_dim3A_581 : vector<1x512xf32> to vector<64x512xf32>
    %swap3A_583 = arith.constant 49 : index
    %swap3A_584 = arith.constant 0 : index
    %swap3A_585 = arith.constant 0 : index
    %swap3A_586 = vector.load %arg6[%swap3A_583, %swap3A_584, %swap3A_585] : memref<77x64x512xf32, #tpu.memory_space<vmem>>, vector<1x64x512xf32>
    %swap3A_587 = vector.shape_cast %swap3A_586 : vector<1x64x512xf32> to vector<64x512xf32>
    %swap3A_588 = vector.shape_cast %broadcast_in_dim3A_582 : vector<64x512xf32> to vector<1x64x512xf32>
    tpu.vector_store %arg6[%swap3A_583, %swap3A_584, %swap3A_585], %swap3A_588 {strides = array<i32>} : memref<77x64x512xf32, #tpu.memory_space<vmem>>, vector<1x64x512xf32>,
    %get3A_589 = arith.constant 35 : index
    %get3A_590 = arith.constant 0 : index
    %get3A_591 = vector.load %arg5[%get3A_589, %get3A_590] : memref<62x512xf32, #tpu.memory_space<vmem>>, vector<1x512xf32>
    %get3A_592 = vector.shape_cast %get3A_591 : vector<1x512xf32> to vector<512xf32>
    %broadcast_in_dim3A_593 = vector.shape_cast %get3A_592 : vector<512xf32> to vector<1x512xf32>
    %broadcast_in_dim3A_594 = vector.broadcast %broadcast_in_dim3A_593 : vector<1x512xf32> to vector<64x512xf32>
    %swap3A_595 = arith.constant 50 : index
    %swap3A_596 = arith.constant 0 : index
    %swap3A_597 = arith.constant 0 : index
    %swap3A_598 = vector.load %arg6[%swap3A_595, %swap3A_596, %swap3A_597] : memref<77x64x512xf32, #tpu.memory_space<vmem>>, vector<1x64x512xf32>
    %swap3A_599 = vector.shape_cast %swap3A_598 : vector<1x64x512xf32> to vector<64x512xf32>
    %swap3A_600 = vector.shape_cast %broadcast_in_dim3A_594 : vector<64x512xf32> to vector<1x64x512xf32>
    tpu.vector_store %arg6[%swap3A_595, %swap3A_596, %swap3A_597], %swap3A_600 {strides = array<i32>} : memref<77x64x512xf32, #tpu.memory_space<vmem>>, vector<1x64x512xf32>,
    %get3A_601 = arith.constant 36 : index
    %get3A_602 = arith.constant 0 : index
    %get3A_603 = vector.load %arg5[%get3A_601, %get3A_602] : memref<62x512xf32, #tpu.memory_space<vmem>>, vector<1x512xf32>
    %get3A_604 = vector.shape_cast %get3A_603 : vector<1x512xf32> to vector<512xf32>
    %broadcast_in_dim3A_605 = vector.shape_cast %get3A_604 : vector<512xf32> to vector<1x512xf32>
    %broadcast_in_dim3A_606 = vector.broadcast %broadcast_in_dim3A_605 : vector<1x512xf32> to vector<64x512xf32>
    %swap3A_607 = arith.constant 51 : index
    %swap3A_608 = arith.constant 0 : index
    %swap3A_609 = arith.constant 0 : index
    %swap3A_610 = vector.load %arg6[%swap3A_607, %swap3A_608, %swap3A_609] : memref<77x64x512xf32, #tpu.memory_space<vmem>>, vector<1x64x512xf32>
    %swap3A_611 = vector.shape_cast %swap3A_610 : vector<1x64x512xf32> to vector<64x512xf32>
    %swap3A_612 = vector.shape_cast %broadcast_in_dim3A_606 : vector<64x512xf32> to vector<1x64x512xf32>
    tpu.vector_store %arg6[%swap3A_607, %swap3A_608, %swap3A_609], %swap3A_612 {strides = array<i32>} : memref<77x64x512xf32, #tpu.memory_space<vmem>>, vector<1x64x512xf32>,
    %get3A_613 = arith.constant 37 : index
    %get3A_614 = arith.constant 0 : index
    %get3A_615 = vector.load %arg5[%get3A_613, %get3A_614] : memref<62x512xf32, #tpu.memory_space<vmem>>, vector<1x512xf32>
    %get3A_616 = vector.shape_cast %get3A_615 : vector<1x512xf32> to vector<512xf32>
    %broadcast_in_dim3A_617 = vector.shape_cast %get3A_616 : vector<512xf32> to vector<1x512xf32>
    %broadcast_in_dim3A_618 = vector.broadcast %broadcast_in_dim3A_617 : vector<1x512xf32> to vector<64x512xf32>
    %swap3A_619 = arith.constant 52 : index
    %swap3A_620 = arith.constant 0 : index
    %swap3A_621 = arith.constant 0 : index
    %swap3A_622 = vector.load %arg6[%swap3A_619, %swap3A_620, %swap3A_621] : memref<77x64x512xf32, #tpu.memory_space<vmem>>, vector<1x64x512xf32>
    %swap3A_623 = vector.shape_cast %swap3A_622 : vector<1x64x512xf32> to vector<64x512xf32>
    %swap3A_624 = vector.shape_cast %broadcast_in_dim3A_618 : vector<64x512xf32> to vector<1x64x512xf32>
    tpu.vector_store %arg6[%swap3A_619, %swap3A_620, %swap3A_621], %swap3A_624 {strides = array<i32>} : memref<77x64x512xf32, #tpu.memory_space<vmem>>, vector<1x64x512xf32>,
    %get3A_625 = arith.constant 38 : index
    %get3A_626 = arith.constant 0 : index
    %get3A_627 = vector.load %arg5[%get3A_625, %get3A_626] : memref<62x512xf32, #tpu.memory_space<vmem>>, vector<1x512xf32>
    %get3A_628 = vector.shape_cast %get3A_627 : vector<1x512xf32> to vector<512xf32>
    %broadcast_in_dim3A_629 = vector.shape_cast %get3A_628 : vector<512xf32> to vector<1x512xf32>
    %broadcast_in_dim3A_630 = vector.broadcast %broadcast_in_dim3A_629 : vector<1x512xf32> to vector<64x512xf32>
    %swap3A_631 = arith.constant 53 : index
    %swap3A_632 = arith.constant 0 : index
    %swap3A_633 = arith.constant 0 : index
    %swap3A_634 = vector.load %arg6[%swap3A_631, %swap3A_632, %swap3A_633] : memref<77x64x512xf32, #tpu.memory_space<vmem>>, vector<1x64x512xf32>
    %swap3A_635 = vector.shape_cast %swap3A_634 : vector<1x64x512xf32> to vector<64x512xf32>
    %swap3A_636 = vector.shape_cast %broadcast_in_dim3A_630 : vector<64x512xf32> to vector<1x64x512xf32>
    tpu.vector_store %arg6[%swap3A_631, %swap3A_632, %swap3A_633], %swap3A_636 {strides = array<i32>} : memref<77x64x512xf32, #tpu.memory_space<vmem>>, vector<1x64x512xf32>,
    %get3A_637 = arith.constant 39 : index
    %get3A_638 = arith.constant 0 : index
    %get3A_639 = vector.load %arg5[%get3A_637, %get3A_638] : memref<62x512xf32, #tpu.memory_space<vmem>>, vector<1x512xf32>
    %get3A_640 = vector.shape_cast %get3A_639 : vector<1x512xf32> to vector<512xf32>
    %broadcast_in_dim3A_641 = vector.shape_cast %get3A_640 : vector<512xf32> to vector<1x512xf32>
    %broadcast_in_dim3A_642 = vector.broadcast %broadcast_in_dim3A_641 : vector<1x512xf32> to vector<64x512xf32>
    %swap3A_643 = arith.constant 54 : index
    %swap3A_644 = arith.constant 0 : index
    %swap3A_645 = arith.constant 0 : index
    %swap3A_646 = vector.load %arg6[%swap3A_643, %swap3A_644, %swap3A_645] : memref<77x64x512xf32, #tpu.memory_space<vmem>>, vector<1x64x512xf32>
    %swap3A_647 = vector.shape_cast %swap3A_646 : vector<1x64x512xf32> to vector<64x512xf32>
    %swap3A_648 = vector.shape_cast %broadcast_in_dim3A_642 : vector<64x512xf32> to vector<1x64x512xf32>
    tpu.vector_store %arg6[%swap3A_643, %swap3A_644, %swap3A_645], %swap3A_648 {strides = array<i32>} : memref<77x64x512xf32, #tpu.memory_space<vmem>>, vector<1x64x512xf32>,
    %get3A_649 = arith.constant 40 : index
    %get3A_650 = arith.constant 0 : index
    %get3A_651 = vector.load %arg5[%get3A_649, %get3A_650] : memref<62x512xf32, #tpu.memory_space<vmem>>, vector<1x512xf32>
    %get3A_652 = vector.shape_cast %get3A_651 : vector<1x512xf32> to vector<512xf32>
    %broadcast_in_dim3A_653 = vector.shape_cast %get3A_652 : vector<512xf32> to vector<1x512xf32>
    %broadcast_in_dim3A_654 = vector.broadcast %broadcast_in_dim3A_653 : vector<1x512xf32> to vector<64x512xf32>
    %swap3A_655 = arith.constant 55 : index
    %swap3A_656 = arith.constant 0 : index
    %swap3A_657 = arith.constant 0 : index
    %swap3A_658 = vector.load %arg6[%swap3A_655, %swap3A_656, %swap3A_657] : memref<77x64x512xf32, #tpu.memory_space<vmem>>, vector<1x64x512xf32>
    %swap3A_659 = vector.shape_cast %swap3A_658 : vector<1x64x512xf32> to vector<64x512xf32>
    %swap3A_660 = vector.shape_cast %broadcast_in_dim3A_654 : vector<64x512xf32> to vector<1x64x512xf32>
    tpu.vector_store %arg6[%swap3A_655, %swap3A_656, %swap3A_657], %swap3A_660 {strides = array<i32>} : memref<77x64x512xf32, #tpu.memory_space<vmem>>, vector<1x64x512xf32>,
    %get3A_661 = arith.constant 41 : index
    %get3A_662 = arith.constant 0 : index
    %get3A_663 = vector.load %arg5[%get3A_661, %get3A_662] : memref<62x512xf32, #tpu.memory_space<vmem>>, vector<1x512xf32>
    %get3A_664 = vector.shape_cast %get3A_663 : vector<1x512xf32> to vector<512xf32>
    %broadcast_in_dim3A_665 = vector.shape_cast %get3A_664 : vector<512xf32> to vector<1x512xf32>
    %broadcast_in_dim3A_666 = vector.broadcast %broadcast_in_dim3A_665 : vector<1x512xf32> to vector<64x512xf32>
    %swap3A_667 = arith.constant 56 : index
    %swap3A_668 = arith.constant 0 : index
    %swap3A_669 = arith.constant 0 : index
    %swap3A_670 = vector.load %arg6[%swap3A_667, %swap3A_668, %swap3A_669] : memref<77x64x512xf32, #tpu.memory_space<vmem>>, vector<1x64x512xf32>
    %swap3A_671 = vector.shape_cast %swap3A_670 : vector<1x64x512xf32> to vector<64x512xf32>
    %swap3A_672 = vector.shape_cast %broadcast_in_dim3A_666 : vector<64x512xf32> to vector<1x64x512xf32>
    tpu.vector_store %arg6[%swap3A_667, %swap3A_668, %swap3A_669], %swap3A_672 {strides = array<i32>} : memref<77x64x512xf32, #tpu.memory_space<vmem>>, vector<1x64x512xf32>,
    %get3A_673 = arith.constant 42 : index
    %get3A_674 = arith.constant 0 : index
    %get3A_675 = vector.load %arg5[%get3A_673, %get3A_674] : memref<62x512xf32, #tpu.memory_space<vmem>>, vector<1x512xf32>
    %get3A_676 = vector.shape_cast %get3A_675 : vector<1x512xf32> to vector<512xf32>
    %broadcast_in_dim3A_677 = vector.shape_cast %get3A_676 : vector<512xf32> to vector<1x512xf32>
    %broadcast_in_dim3A_678 = vector.broadcast %broadcast_in_dim3A_677 : vector<1x512xf32> to vector<64x512xf32>
    %swap3A_679 = arith.constant 57 : index
    %swap3A_680 = arith.constant 0 : index
    %swap3A_681 = arith.constant 0 : index
    %swap3A_682 = vector.load %arg6[%swap3A_679, %swap3A_680, %swap3A_681] : memref<77x64x512xf32, #tpu.memory_space<vmem>>, vector<1x64x512xf32>
    %swap3A_683 = vector.shape_cast %swap3A_682 : vector<1x64x512xf32> to vector<64x512xf32>
    %swap3A_684 = vector.shape_cast %broadcast_in_dim3A_678 : vector<64x512xf32> to vector<1x64x512xf32>
    tpu.vector_store %arg6[%swap3A_679, %swap3A_680, %swap3A_681], %swap3A_684 {strides = array<i32>} : memref<77x64x512xf32, #tpu.memory_space<vmem>>, vector<1x64x512xf32>,
    %get3A_685 = arith.constant 43 : index
    %get3A_686 = arith.constant 0 : index
    %get3A_687 = vector.load %arg5[%get3A_685, %get3A_686] : memref<62x512xf32, #tpu.memory_space<vmem>>, vector<1x512xf32>
    %get3A_688 = vector.shape_cast %get3A_687 : vector<1x512xf32> to vector<512xf32>
    %broadcast_in_dim3A_689 = vector.shape_cast %get3A_688 : vector<512xf32> to vector<1x512xf32>
    %broadcast_in_dim3A_690 = vector.broadcast %broadcast_in_dim3A_689 : vector<1x512xf32> to vector<64x512xf32>
    %swap3A_691 = arith.constant 58 : index
    %swap3A_692 = arith.constant 0 : index
    %swap3A_693 = arith.constant 0 : index
    %swap3A_694 = vector.load %arg6[%swap3A_691, %swap3A_692, %swap3A_693] : memref<77x64x512xf32, #tpu.memory_space<vmem>>, vector<1x64x512xf32>
    %swap3A_695 = vector.shape_cast %swap3A_694 : vector<1x64x512xf32> to vector<64x512xf32>
    %swap3A_696 = vector.shape_cast %broadcast_in_dim3A_690 : vector<64x512xf32> to vector<1x64x512xf32>
    tpu.vector_store %arg6[%swap3A_691, %swap3A_692, %swap3A_693], %swap3A_696 {strides = array<i32>} : memref<77x64x512xf32, #tpu.memory_space<vmem>>, vector<1x64x512xf32>,
    %get3A_697 = arith.constant 44 : index
    %get3A_698 = arith.constant 0 : index
    %get3A_699 = vector.load %arg5[%get3A_697, %get3A_698] : memref<62x512xf32, #tpu.memory_space<vmem>>, vector<1x512xf32>
    %get3A_700 = vector.shape_cast %get3A_699 : vector<1x512xf32> to vector<512xf32>
    %broadcast_in_dim3A_701 = vector.shape_cast %get3A_700 : vector<512xf32> to vector<1x512xf32>
    %broadcast_in_dim3A_702 = vector.broadcast %broadcast_in_dim3A_701 : vector<1x512xf32> to vector<64x512xf32>
    %swap3A_703 = arith.constant 59 : index
    %swap3A_704 = arith.constant 0 : index
    %swap3A_705 = arith.constant 0 : index
    %swap3A_706 = vector.load %arg6[%swap3A_703, %swap3A_704, %swap3A_705] : memref<77x64x512xf32, #tpu.memory_space<vmem>>, vector<1x64x512xf32>
    %swap3A_707 = vector.shape_cast %swap3A_706 : vector<1x64x512xf32> to vector<64x512xf32>
    %swap3A_708 = vector.shape_cast %broadcast_in_dim3A_702 : vector<64x512xf32> to vector<1x64x512xf32>
    tpu.vector_store %arg6[%swap3A_703, %swap3A_704, %swap3A_705], %swap3A_708 {strides = array<i32>} : memref<77x64x512xf32, #tpu.memory_space<vmem>>, vector<1x64x512xf32>,
    %get3A_709 = arith.constant 45 : index
    %get3A_710 = arith.constant 0 : index
    %get3A_711 = vector.load %arg5[%get3A_709, %get3A_710] : memref<62x512xf32, #tpu.memory_space<vmem>>, vector<1x512xf32>
    %get3A_712 = vector.shape_cast %get3A_711 : vector<1x512xf32> to vector<512xf32>
    %broadcast_in_dim3A_713 = vector.shape_cast %get3A_712 : vector<512xf32> to vector<1x512xf32>
    %broadcast_in_dim3A_714 = vector.broadcast %broadcast_in_dim3A_713 : vector<1x512xf32> to vector<64x512xf32>
    %swap3A_715 = arith.constant 60 : index
    %swap3A_716 = arith.constant 0 : index
    %swap3A_717 = arith.constant 0 : index
    %swap3A_718 = vector.load %arg6[%swap3A_715, %swap3A_716, %swap3A_717] : memref<77x64x512xf32, #tpu.memory_space<vmem>>, vector<1x64x512xf32>
    %swap3A_719 = vector.shape_cast %swap3A_718 : vector<1x64x512xf32> to vector<64x512xf32>
    %swap3A_720 = vector.shape_cast %broadcast_in_dim3A_714 : vector<64x512xf32> to vector<1x64x512xf32>
    tpu.vector_store %arg6[%swap3A_715, %swap3A_716, %swap3A_717], %swap3A_720 {strides = array<i32>} : memref<77x64x512xf32, #tpu.memory_space<vmem>>, vector<1x64x512xf32>,
    %get3A_721 = arith.constant 46 : index
    %get3A_722 = arith.constant 0 : index
    %get3A_723 = vector.load %arg5[%get3A_721, %get3A_722] : memref<62x512xf32, #tpu.memory_space<vmem>>, vector<1x512xf32>
    %get3A_724 = vector.shape_cast %get3A_723 : vector<1x512xf32> to vector<512xf32>
    %broadcast_in_dim3A_725 = vector.shape_cast %get3A_724 : vector<512xf32> to vector<1x512xf32>
    %broadcast_in_dim3A_726 = vector.broadcast %broadcast_in_dim3A_725 : vector<1x512xf32> to vector<64x512xf32>
    %swap3A_727 = arith.constant 61 : index
    %swap3A_728 = arith.constant 0 : index
    %swap3A_729 = arith.constant 0 : index
    %swap3A_730 = vector.load %arg6[%swap3A_727, %swap3A_728, %swap3A_729] : memref<77x64x512xf32, #tpu.memory_space<vmem>>, vector<1x64x512xf32>
    %swap3A_731 = vector.shape_cast %swap3A_730 : vector<1x64x512xf32> to vector<64x512xf32>
    %swap3A_732 = vector.shape_cast %broadcast_in_dim3A_726 : vector<64x512xf32> to vector<1x64x512xf32>
    tpu.vector_store %arg6[%swap3A_727, %swap3A_728, %swap3A_729], %swap3A_732 {strides = array<i32>} : memref<77x64x512xf32, #tpu.memory_space<vmem>>, vector<1x64x512xf32>,
    %get3A_733 = arith.constant 47 : index
    %get3A_734 = arith.constant 0 : index
    %get3A_735 = vector.load %arg5[%get3A_733, %get3A_734] : memref<62x512xf32, #tpu.memory_space<vmem>>, vector<1x512xf32>
    %get3A_736 = vector.shape_cast %get3A_735 : vector<1x512xf32> to vector<512xf32>
    %broadcast_in_dim3A_737 = vector.shape_cast %get3A_736 : vector<512xf32> to vector<1x512xf32>
    %broadcast_in_dim3A_738 = vector.broadcast %broadcast_in_dim3A_737 : vector<1x512xf32> to vector<64x512xf32>
    %swap3A_739 = arith.constant 62 : index
    %swap3A_740 = arith.constant 0 : index
    %swap3A_741 = arith.constant 0 : index
    %swap3A_742 = vector.load %arg6[%swap3A_739, %swap3A_740, %swap3A_741] : memref<77x64x512xf32, #tpu.memory_space<vmem>>, vector<1x64x512xf32>
    %swap3A_743 = vector.shape_cast %swap3A_742 : vector<1x64x512xf32> to vector<64x512xf32>
    %swap3A_744 = vector.shape_cast %broadcast_in_dim3A_738 : vector<64x512xf32> to vector<1x64x512xf32>
    tpu.vector_store %arg6[%swap3A_739, %swap3A_740, %swap3A_741], %swap3A_744 {strides = array<i32>} : memref<77x64x512xf32, #tpu.memory_space<vmem>>, vector<1x64x512xf32>,
    %get3A_745 = arith.constant 48 : index
    %get3A_746 = arith.constant 0 : index
    %get3A_747 = vector.load %arg5[%get3A_745, %get3A_746] : memref<62x512xf32, #tpu.memory_space<vmem>>, vector<1x512xf32>
    %get3A_748 = vector.shape_cast %get3A_747 : vector<1x512xf32> to vector<512xf32>
    %broadcast_in_dim3A_749 = vector.shape_cast %get3A_748 : vector<512xf32> to vector<1x512xf32>
    %broadcast_in_dim3A_750 = vector.broadcast %broadcast_in_dim3A_749 : vector<1x512xf32> to vector<64x512xf32>
    %swap3A_751 = arith.constant 63 : index
    %swap3A_752 = arith.constant 0 : index
    %swap3A_753 = arith.constant 0 : index
    %swap3A_754 = vector.load %arg6[%swap3A_751, %swap3A_752, %swap3A_753] : memref<77x64x512xf32, #tpu.memory_space<vmem>>, vector<1x64x512xf32>
    %swap3A_755 = vector.shape_cast %swap3A_754 : vector<1x64x512xf32> to vector<64x512xf32>
    %swap3A_756 = vector.shape_cast %broadcast_in_dim3A_750 : vector<64x512xf32> to vector<1x64x512xf32>
    tpu.vector_store %arg6[%swap3A_751, %swap3A_752, %swap3A_753], %swap3A_756 {strides = array<i32>} : memref<77x64x512xf32, #tpu.memory_space<vmem>>, vector<1x64x512xf32>,
    %get3A_757 = arith.constant 49 : index
    %get3A_758 = arith.constant 0 : index
    %get3A_759 = vector.load %arg5[%get3A_757, %get3A_758] : memref<62x512xf32, #tpu.memory_space<vmem>>, vector<1x512xf32>
    %get3A_760 = vector.shape_cast %get3A_759 : vector<1x512xf32> to vector<512xf32>
    %broadcast_in_dim3A_761 = vector.shape_cast %get3A_760 : vector<512xf32> to vector<1x512xf32>
    %broadcast_in_dim3A_762 = vector.broadcast %broadcast_in_dim3A_761 : vector<1x512xf32> to vector<64x512xf32>
    %swap3A_763 = arith.constant 64 : index
    %swap3A_764 = arith.constant 0 : index
    %swap3A_765 = arith.constant 0 : index
    %swap3A_766 = vector.load %arg6[%swap3A_763, %swap3A_764, %swap3A_765] : memref<77x64x512xf32, #tpu.memory_space<vmem>>, vector<1x64x512xf32>
    %swap3A_767 = vector.shape_cast %swap3A_766 : vector<1x64x512xf32> to vector<64x512xf32>
    %swap3A_768 = vector.shape_cast %broadcast_in_dim3A_762 : vector<64x512xf32> to vector<1x64x512xf32>
    tpu.vector_store %arg6[%swap3A_763, %swap3A_764, %swap3A_765], %swap3A_768 {strides = array<i32>} : memref<77x64x512xf32, #tpu.memory_space<vmem>>, vector<1x64x512xf32>,
    %get3A_769 = arith.constant 50 : index
    %get3A_770 = arith.constant 0 : index
    %get3A_771 = vector.load %arg5[%get3A_769, %get3A_770] : memref<62x512xf32, #tpu.memory_space<vmem>>, vector<1x512xf32>
    %get3A_772 = vector.shape_cast %get3A_771 : vector<1x512xf32> to vector<512xf32>
    %broadcast_in_dim3A_773 = vector.shape_cast %get3A_772 : vector<512xf32> to vector<1x512xf32>
    %broadcast_in_dim3A_774 = vector.broadcast %broadcast_in_dim3A_773 : vector<1x512xf32> to vector<64x512xf32>
    %swap3A_775 = arith.constant 65 : index
    %swap3A_776 = arith.constant 0 : index
    %swap3A_777 = arith.constant 0 : index
    %swap3A_778 = vector.load %arg6[%swap3A_775, %swap3A_776, %swap3A_777] : memref<77x64x512xf32, #tpu.memory_space<vmem>>, vector<1x64x512xf32>
    %swap3A_779 = vector.shape_cast %swap3A_778 : vector<1x64x512xf32> to vector<64x512xf32>
    %swap3A_780 = vector.shape_cast %broadcast_in_dim3A_774 : vector<64x512xf32> to vector<1x64x512xf32>
    tpu.vector_store %arg6[%swap3A_775, %swap3A_776, %swap3A_777], %swap3A_780 {strides = array<i32>} : memref<77x64x512xf32, #tpu.memory_space<vmem>>, vector<1x64x512xf32>,
    %get3A_781 = arith.constant 51 : index
    %get3A_782 = arith.constant 0 : index
    %get3A_783 = vector.load %arg5[%get3A_781, %get3A_782] : memref<62x512xf32, #tpu.memory_space<vmem>>, vector<1x512xf32>
    %get3A_784 = vector.shape_cast %get3A_783 : vector<1x512xf32> to vector<512xf32>
    %broadcast_in_dim3A_785 = vector.shape_cast %get3A_784 : vector<512xf32> to vector<1x512xf32>
    %broadcast_in_dim3A_786 = vector.broadcast %broadcast_in_dim3A_785 : vector<1x512xf32> to vector<64x512xf32>
    %swap3A_787 = arith.constant 66 : index
    %swap3A_788 = arith.constant 0 : index
    %swap3A_789 = arith.constant 0 : index
    %swap3A_790 = vector.load %arg6[%swap3A_787, %swap3A_788, %swap3A_789] : memref<77x64x512xf32, #tpu.memory_space<vmem>>, vector<1x64x512xf32>
    %swap3A_791 = vector.shape_cast %swap3A_790 : vector<1x64x512xf32> to vector<64x512xf32>
    %swap3A_792 = vector.shape_cast %broadcast_in_dim3A_786 : vector<64x512xf32> to vector<1x64x512xf32>
    tpu.vector_store %arg6[%swap3A_787, %swap3A_788, %swap3A_789], %swap3A_792 {strides = array<i32>} : memref<77x64x512xf32, #tpu.memory_space<vmem>>, vector<1x64x512xf32>,
    %get3A_793 = arith.constant 52 : index
    %get3A_794 = arith.constant 0 : index
    %get3A_795 = vector.load %arg5[%get3A_793, %get3A_794] : memref<62x512xf32, #tpu.memory_space<vmem>>, vector<1x512xf32>
    %get3A_796 = vector.shape_cast %get3A_795 : vector<1x512xf32> to vector<512xf32>
    %broadcast_in_dim3A_797 = vector.shape_cast %get3A_796 : vector<512xf32> to vector<1x512xf32>
    %broadcast_in_dim3A_798 = vector.broadcast %broadcast_in_dim3A_797 : vector<1x512xf32> to vector<64x512xf32>
    %swap3A_799 = arith.constant 67 : index
    %swap3A_800 = arith.constant 0 : index
    %swap3A_801 = arith.constant 0 : index
    %swap3A_802 = vector.load %arg6[%swap3A_799, %swap3A_800, %swap3A_801] : memref<77x64x512xf32, #tpu.memory_space<vmem>>, vector<1x64x512xf32>
    %swap3A_803 = vector.shape_cast %swap3A_802 : vector<1x64x512xf32> to vector<64x512xf32>
    %swap3A_804 = vector.shape_cast %broadcast_in_dim3A_798 : vector<64x512xf32> to vector<1x64x512xf32>
    tpu.vector_store %arg6[%swap3A_799, %swap3A_800, %swap3A_801], %swap3A_804 {strides = array<i32>} : memref<77x64x512xf32, #tpu.memory_space<vmem>>, vector<1x64x512xf32>,
    %get3A_805 = arith.constant 53 : index
    %get3A_806 = arith.constant 0 : index
    %get3A_807 = vector.load %arg5[%get3A_805, %get3A_806] : memref<62x512xf32, #tpu.memory_space<vmem>>, vector<1x512xf32>
    %get3A_808 = vector.shape_cast %get3A_807 : vector<1x512xf32> to vector<512xf32>
    %broadcast_in_dim3A_809 = vector.shape_cast %get3A_808 : vector<512xf32> to vector<1x512xf32>
    %broadcast_in_dim3A_810 = vector.broadcast %broadcast_in_dim3A_809 : vector<1x512xf32> to vector<64x512xf32>
    %swap3A_811 = arith.constant 68 : index
    %swap3A_812 = arith.constant 0 : index
    %swap3A_813 = arith.constant 0 : index
    %swap3A_814 = vector.load %arg6[%swap3A_811, %swap3A_812, %swap3A_813] : memref<77x64x512xf32, #tpu.memory_space<vmem>>, vector<1x64x512xf32>
    %swap3A_815 = vector.shape_cast %swap3A_814 : vector<1x64x512xf32> to vector<64x512xf32>
    %swap3A_816 = vector.shape_cast %broadcast_in_dim3A_810 : vector<64x512xf32> to vector<1x64x512xf32>
    tpu.vector_store %arg6[%swap3A_811, %swap3A_812, %swap3A_813], %swap3A_816 {strides = array<i32>} : memref<77x64x512xf32, #tpu.memory_space<vmem>>, vector<1x64x512xf32>,
    %get3A_817 = arith.constant 54 : index
    %get3A_818 = arith.constant 0 : index
    %get3A_819 = vector.load %arg5[%get3A_817, %get3A_818] : memref<62x512xf32, #tpu.memory_space<vmem>>, vector<1x512xf32>
    %get3A_820 = vector.shape_cast %get3A_819 : vector<1x512xf32> to vector<512xf32>
    %broadcast_in_dim3A_821 = vector.shape_cast %get3A_820 : vector<512xf32> to vector<1x512xf32>
    %broadcast_in_dim3A_822 = vector.broadcast %broadcast_in_dim3A_821 : vector<1x512xf32> to vector<64x512xf32>
    %swap3A_823 = arith.constant 69 : index
    %swap3A_824 = arith.constant 0 : index
    %swap3A_825 = arith.constant 0 : index
    %swap3A_826 = vector.load %arg6[%swap3A_823, %swap3A_824, %swap3A_825] : memref<77x64x512xf32, #tpu.memory_space<vmem>>, vector<1x64x512xf32>
    %swap3A_827 = vector.shape_cast %swap3A_826 : vector<1x64x512xf32> to vector<64x512xf32>
    %swap3A_828 = vector.shape_cast %broadcast_in_dim3A_822 : vector<64x512xf32> to vector<1x64x512xf32>
    tpu.vector_store %arg6[%swap3A_823, %swap3A_824, %swap3A_825], %swap3A_828 {strides = array<i32>} : memref<77x64x512xf32, #tpu.memory_space<vmem>>, vector<1x64x512xf32>,
    %get3A_829 = arith.constant 55 : index
    %get3A_830 = arith.constant 0 : index
    %get3A_831 = vector.load %arg5[%get3A_829, %get3A_830] : memref<62x512xf32, #tpu.memory_space<vmem>>, vector<1x512xf32>
    %get3A_832 = vector.shape_cast %get3A_831 : vector<1x512xf32> to vector<512xf32>
    %broadcast_in_dim3A_833 = vector.shape_cast %get3A_832 : vector<512xf32> to vector<1x512xf32>
    %broadcast_in_dim3A_834 = vector.broadcast %broadcast_in_dim3A_833 : vector<1x512xf32> to vector<64x512xf32>
    %swap3A_835 = arith.constant 70 : index
    %swap3A_836 = arith.constant 0 : index
    %swap3A_837 = arith.constant 0 : index
    %swap3A_838 = vector.load %arg6[%swap3A_835, %swap3A_836, %swap3A_837] : memref<77x64x512xf32, #tpu.memory_space<vmem>>, vector<1x64x512xf32>
    %swap3A_839 = vector.shape_cast %swap3A_838 : vector<1x64x512xf32> to vector<64x512xf32>
    %swap3A_840 = vector.shape_cast %broadcast_in_dim3A_834 : vector<64x512xf32> to vector<1x64x512xf32>
    tpu.vector_store %arg6[%swap3A_835, %swap3A_836, %swap3A_837], %swap3A_840 {strides = array<i32>} : memref<77x64x512xf32, #tpu.memory_space<vmem>>, vector<1x64x512xf32>,
    %get3A_841 = arith.constant 56 : index
    %get3A_842 = arith.constant 0 : index
    %get3A_843 = vector.load %arg5[%get3A_841, %get3A_842] : memref<62x512xf32, #tpu.memory_space<vmem>>, vector<1x512xf32>
    %get3A_844 = vector.shape_cast %get3A_843 : vector<1x512xf32> to vector<512xf32>
    %broadcast_in_dim3A_845 = vector.shape_cast %get3A_844 : vector<512xf32> to vector<1x512xf32>
    %broadcast_in_dim3A_846 = vector.broadcast %broadcast_in_dim3A_845 : vector<1x512xf32> to vector<64x512xf32>
    %swap3A_847 = arith.constant 71 : index
    %swap3A_848 = arith.constant 0 : index
    %swap3A_849 = arith.constant 0 : index
    %swap3A_850 = vector.load %arg6[%swap3A_847, %swap3A_848, %swap3A_849] : memref<77x64x512xf32, #tpu.memory_space<vmem>>, vector<1x64x512xf32>
    %swap3A_851 = vector.shape_cast %swap3A_850 : vector<1x64x512xf32> to vector<64x512xf32>
    %swap3A_852 = vector.shape_cast %broadcast_in_dim3A_846 : vector<64x512xf32> to vector<1x64x512xf32>
    tpu.vector_store %arg6[%swap3A_847, %swap3A_848, %swap3A_849], %swap3A_852 {strides = array<i32>} : memref<77x64x512xf32, #tpu.memory_space<vmem>>, vector<1x64x512xf32>,
    %get3A_853 = arith.constant 57 : index
    %get3A_854 = arith.constant 0 : index
    %get3A_855 = vector.load %arg5[%get3A_853, %get3A_854] : memref<62x512xf32, #tpu.memory_space<vmem>>, vector<1x512xf32>
    %get3A_856 = vector.shape_cast %get3A_855 : vector<1x512xf32> to vector<512xf32>
    %broadcast_in_dim3A_857 = vector.shape_cast %get3A_856 : vector<512xf32> to vector<1x512xf32>
    %broadcast_in_dim3A_858 = vector.broadcast %broadcast_in_dim3A_857 : vector<1x512xf32> to vector<64x512xf32>
    %swap3A_859 = arith.constant 72 : index
    %swap3A_860 = arith.constant 0 : index
    %swap3A_861 = arith.constant 0 : index
    %swap3A_862 = vector.load %arg6[%swap3A_859, %swap3A_860, %swap3A_861] : memref<77x64x512xf32, #tpu.memory_space<vmem>>, vector<1x64x512xf32>
    %swap3A_863 = vector.shape_cast %swap3A_862 : vector<1x64x512xf32> to vector<64x512xf32>
    %swap3A_864 = vector.shape_cast %broadcast_in_dim3A_858 : vector<64x512xf32> to vector<1x64x512xf32>
    tpu.vector_store %arg6[%swap3A_859, %swap3A_860, %swap3A_861], %swap3A_864 {strides = array<i32>} : memref<77x64x512xf32, #tpu.memory_space<vmem>>, vector<1x64x512xf32>,
    %get3A_865 = arith.constant 58 : index
    %get3A_866 = arith.constant 0 : index
    %get3A_867 = vector.load %arg5[%get3A_865, %get3A_866] : memref<62x512xf32, #tpu.memory_space<vmem>>, vector<1x512xf32>
    %get3A_868 = vector.shape_cast %get3A_867 : vector<1x512xf32> to vector<512xf32>
    %broadcast_in_dim3A_869 = vector.shape_cast %get3A_868 : vector<512xf32> to vector<1x512xf32>
    %broadcast_in_dim3A_870 = vector.broadcast %broadcast_in_dim3A_869 : vector<1x512xf32> to vector<64x512xf32>
    %swap3A_871 = arith.constant 73 : index
    %swap3A_872 = arith.constant 0 : index
    %swap3A_873 = arith.constant 0 : index
    %swap3A_874 = vector.load %arg6[%swap3A_871, %swap3A_872, %swap3A_873] : memref<77x64x512xf32, #tpu.memory_space<vmem>>, vector<1x64x512xf32>
    %swap3A_875 = vector.shape_cast %swap3A_874 : vector<1x64x512xf32> to vector<64x512xf32>
    %swap3A_876 = vector.shape_cast %broadcast_in_dim3A_870 : vector<64x512xf32> to vector<1x64x512xf32>
    tpu.vector_store %arg6[%swap3A_871, %swap3A_872, %swap3A_873], %swap3A_876 {strides = array<i32>} : memref<77x64x512xf32, #tpu.memory_space<vmem>>, vector<1x64x512xf32>,
    %get3A_877 = arith.constant 59 : index
    %get3A_878 = arith.constant 0 : index
    %get3A_879 = vector.load %arg5[%get3A_877, %get3A_878] : memref<62x512xf32, #tpu.memory_space<vmem>>, vector<1x512xf32>
    %get3A_880 = vector.shape_cast %get3A_879 : vector<1x512xf32> to vector<512xf32>
    %broadcast_in_dim3A_881 = vector.shape_cast %get3A_880 : vector<512xf32> to vector<1x512xf32>
    %broadcast_in_dim3A_882 = vector.broadcast %broadcast_in_dim3A_881 : vector<1x512xf32> to vector<64x512xf32>
    %swap3A_883 = arith.constant 74 : index
    %swap3A_884 = arith.constant 0 : index
    %swap3A_885 = arith.constant 0 : index
    %swap3A_886 = vector.load %arg6[%swap3A_883, %swap3A_884, %swap3A_885] : memref<77x64x512xf32, #tpu.memory_space<vmem>>, vector<1x64x512xf32>
    %swap3A_887 = vector.shape_cast %swap3A_886 : vector<1x64x512xf32> to vector<64x512xf32>
    %swap3A_888 = vector.shape_cast %broadcast_in_dim3A_882 : vector<64x512xf32> to vector<1x64x512xf32>
    tpu.vector_store %arg6[%swap3A_883, %swap3A_884, %swap3A_885], %swap3A_888 {strides = array<i32>} : memref<77x64x512xf32, #tpu.memory_space<vmem>>, vector<1x64x512xf32>,
    %get3A_889 = arith.constant 60 : index
    %get3A_890 = arith.constant 0 : index
    %get3A_891 = vector.load %arg5[%get3A_889, %get3A_890] : memref<62x512xf32, #tpu.memory_space<vmem>>, vector<1x512xf32>
    %get3A_892 = vector.shape_cast %get3A_891 : vector<1x512xf32> to vector<512xf32>
    %broadcast_in_dim3A_893 = vector.shape_cast %get3A_892 : vector<512xf32> to vector<1x512xf32>
    %broadcast_in_dim3A_894 = vector.broadcast %broadcast_in_dim3A_893 : vector<1x512xf32> to vector<64x512xf32>
    %swap3A_895 = arith.constant 75 : index
    %swap3A_896 = arith.constant 0 : index
    %swap3A_897 = arith.constant 0 : index
    %swap3A_898 = vector.load %arg6[%swap3A_895, %swap3A_896, %swap3A_897] : memref<77x64x512xf32, #tpu.memory_space<vmem>>, vector<1x64x512xf32>
    %swap3A_899 = vector.shape_cast %swap3A_898 : vector<1x64x512xf32> to vector<64x512xf32>
    %swap3A_900 = vector.shape_cast %broadcast_in_dim3A_894 : vector<64x512xf32> to vector<1x64x512xf32>
    tpu.vector_store %arg6[%swap3A_895, %swap3A_896, %swap3A_897], %swap3A_900 {strides = array<i32>} : memref<77x64x512xf32, #tpu.memory_space<vmem>>, vector<1x64x512xf32>,
    %get3A_901 = arith.constant 61 : index
    %get3A_902 = arith.constant 0 : index
    %get3A_903 = vector.load %arg5[%get3A_901, %get3A_902] : memref<62x512xf32, #tpu.memory_space<vmem>>, vector<1x512xf32>
    %get3A_904 = vector.shape_cast %get3A_903 : vector<1x512xf32> to vector<512xf32>
    %broadcast_in_dim3A_905 = vector.shape_cast %get3A_904 : vector<512xf32> to vector<1x512xf32>
    %broadcast_in_dim3A_906 = vector.broadcast %broadcast_in_dim3A_905 : vector<1x512xf32> to vector<64x512xf32>
    %swap3A_907 = arith.constant 76 : index
    %swap3A_908 = arith.constant 0 : index
    %swap3A_909 = arith.constant 0 : index
    %swap3A_910 = vector.load %arg6[%swap3A_907, %swap3A_908, %swap3A_909] : memref<77x64x512xf32, #tpu.memory_space<vmem>>, vector<1x64x512xf32>
    %swap3A_911 = vector.shape_cast %swap3A_910 : vector<1x64x512xf32> to vector<64x512xf32>
    %swap3A_912 = vector.shape_cast %broadcast_in_dim3A_906 : vector<64x512xf32> to vector<1x64x512xf32>
    tpu.vector_store %arg6[%swap3A_907, %swap3A_908, %swap3A_909], %swap3A_912 {strides = array<i32>} : memref<77x64x512xf32, #tpu.memory_space<vmem>>, vector<1x64x512xf32>,
    return
  }
  func.func @transform_0(%arg0: i32) -> (i32, i32, i32) {
    %c0_i32 = arith.constant 0 : i32
    %c0_i32_0 = arith.constant 0 : i32
    %c0_i32_1 = arith.constant 0 : i32
    return %arg0, %c0_i32, %c0_i32_0 : i32, i32, i32
  }
  func.func @transform_1(%arg0: i32) -> (i32, i32, i32) {
    %c0_i32 = arith.constant 0 : i32
    %c0_i32_0 = arith.constant 0 : i32
    %c0_i32_1 = arith.constant 0 : i32
    return %arg0, %c0_i32, %c0_i32_0 : i32, i32, i32
  }
  func.func @transform_2(%arg0: i32) -> (i32, i32) {
    %c0_i32 = arith.constant 0 : i32
    %c0_i32_0 = arith.constant 0 : i32
    %c0_i32_1 = arith.constant 0 : i32
    return %c0_i32, %c0_i32_0 : i32, i32
  }
  func.func @transform_3(%arg0: i32) -> (i32, i32) {
    %c0_i32 = arith.constant 0 : i32
    %c0_i32_0 = arith.constant 0 : i32
    %c0_i32_1 = arith.constant 0 : i32
    return %c0_i32, %c0_i32_0 : i32, i32
  }
  func.func @transform_4(%arg0: i32) -> (i32, i32) {
    %c0_i32 = arith.constant 0 : i32
    %c0_i32_0 = arith.constant 0 : i32
    %c0_i32_1 = arith.constant 0 : i32
    return %c0_i32, %c0_i32_0 : i32, i32
  }
  func.func @transform_5(%arg0: i32) -> (i32, i32, i32) {
    %c0_i32 = arith.constant 0 : i32
    %c0_i32_0 = arith.constant 0 : i32
    %c0_i32_1 = arith.constant 0 : i32
    return %c0_i32, %arg0, %c0_i32_0 : i32, i32, i32
  }
}

</mosaic_0001>

<sc_bundles>
// kernel: kernel.4.cloned.1.call-start
scs
__scs_entry_jumppad:
0x0: {  	(pc) =	sbr.rel $0x88, $3  }
0x1: {  	(tag) =	ssettag $0x0;
	lr =	simm.s32 $0x1  }
0x2: {  	[smem:$0x3F9B] =	sst lr;
	_ =	strace $0xD0000000  }
0x3: {  	_ = 	snop  }
0x4: {  	_ = 	snop  }
0x5: {  	_ = 	snop  }
0x6: {  	_ = 	snop  }
0x7: {  	_ = 	snop  }
__scs_overlays_trampoline_lowered:
0x8: {  	[smem:$0x3FAA] =	sst s0  }
0x9: {  	[smem:$0x3FAB] =	sst s1  }
0xa: {  	[smem:$0x3FAC] =	sst s2  }
0xb: {  	[smem:$0x3FAD] =	sst s3  }
0xc: {  	[smem:$0x3FAE] =	sst s4  }
0xd: {  	[smem:$0x3FAF] =	sst s5  }
0xe: {  	[smem:$0x3FB0] =	sst s6  }
0xf: {  	[smem:$0x3FB1] =	sst s7  }
0x10: {  	[smem:$0x3FB2] =	sst s8  }
0x11: {  	[smem:$0x3FB3] =	sst s9;
	s0 =	simm.s32 @!p0 $0x0  }
0x12: {  	s1 =	sld [smem:$0x3F99];
	s0 =	simm.s32 @p0 $0x1  }
0x13: {  	[smem:$0x3FB4] =	sst s0;
	s0 =	simm.s32 @!p1 $0x0  }
0x14: {  	s2 =	sld [smem:$0x3F98];
	s0 =	simm.s32 @p1 $0x1  }
0x15: {  	[smem:$0x3FB5] =	sst s0;
	s0 =	simm.s32 @!p2 $0x0  }
0x16: {  	s3 =	sld [smem:$0x3FDB];
	s0 =	simm.s32 @p2 $0x1  }
0x17: {  	s4 =	simm.s32 $0x1BF5;
	[smem:$0x3FB7] =	sst s0  }
0x18: {  	s0 =	sld [smem:$0x3F9A];
	_ =	swait.ge [sflag:s4], $0x0  }
0x19: {  	s7 =	sld [smem:$0x3F9B]  }
0x1a: {  	s8 =	sadd.s32 $0xFFFFE003, lr  }
0x1b: {  	s9 =	sadd.s32 $0xFFFFFEF7, lr;
	s5 =	simm.s32 $0xFFFFFFFF;
	p2 =	slt.u32 s8, $0xFFFFF086  }
0x1c: {  	p1 =	slt.u32 s9, $0xF7A;
	s5 =	simm.s32 @!p2 $0x0  }
0x1d: {  	s5 =	simm.s32 @p1 $0x1;
	p0 =	seq.s32 s7, s2  }
0x1e: {  	s7 =	smul.u32 @!p0 $0xF7A, s2;
	p2 =	seq.s32 @!p0 s5, $0x0  }
0x1f: {  	s9 =	smul.u32 $0xF7A, s1;
	s8 =	simm.s32 @!p0 $0x1BF5;
	p2 =	por !p2, p0  }
0x20: {  	[sflag:s8] =	ssyncset.s32 @!p0 $0xFFFFF086;
	s6 =	sadd.s32 @!p0 s3, s7;
	s7 =	simm.s32 @!p0 $0x108  }
0x21: {  	s3 =	sadd.s32 s3, s9;
	s6 =	sadd.s32 @!p0 $0x88, s6;
	s7 =	simm.s32 @p2 $0x1082  }
0x22: {  	[simem:s7], [sflag:s8] =	dma.local @!p0 [hbm:s6], $0xF7A  }
0x23: {  	s9 =	sor.u32 $0xD0000000, s2;
	s6 =	simm.s32 $0x108;
	_ =	swait.ge @!p0 [sflag:s8], $0x0  }
0x24: {  	s3 =	sadd.s32 $0x88, s3;
	s6 =	simm.s32 @!p1 $0x1082;
	[sflag:s4] =	ssyncset.s32 $0xFFFFF086  }
0x25: {  	[simem:s6], [sflag:s4] =	dma.local [hbm:s3], $0xF7A  }
0x26: {  	[smem:$0x3F9B] =	sst s1;
	(tag) =	ssettag s2;
	_ =	strace s9  }
0x27: {  	s1 =	sld [smem:$0x3FAB]  }
0x28: {  	s2 =	sld [smem:$0x3FAC]  }
0x29: {  	s4 =	sld [smem:$0x3FAE]  }
0x2a: {  	p0 =	seq.s32 s5, $0x0;
	s5 =	sld [smem:$0x3FAF]  }
0x2b: {  	s6 =	sld [smem:$0x3FB0]  }
0x2c: {  	s7 =	sld [smem:$0x3FB1]  }
0x2d: {  	s3 =	simm.s32 $0x108;
	s8 =	sld [smem:$0x3FB2]  }
0x2e: {  	s3 =	simm.s32 @!p0 $0x1082;
	s9 =	sld [smem:$0x3FB3]  }
0x2f: {  	lr =	sadd.s32 s0, s3;
	s0 =	sld [smem:$0x3FAA]  }
0x30: {  	s3 =	sld [smem:$0x3FAD]  }
0x31: {  	[smem:$0x3FB6] =	sst s10  }
0x32: {  	s10 =	sld [smem:$0x3FB4];
	_ =	sdelay $0x3  }
0x33: {  	p0 =	seq.s32 s10, $0x1;
	s10 =	sld [smem:$0x3FB6];
	_ =	sdelay $0x3  }
0x34: {  	[smem:$0x3FB6] =	sst s10  }
0x35: {  	s10 =	sld [smem:$0x3FB5];
	_ =	sdelay $0x3  }
0x36: {  	p1 =	seq.s32 s10, $0x1;
	s10 =	sld [smem:$0x3FB6];
	_ =	sdelay $0x3  }
0x37: {  	[smem:$0x3FB6] =	sst s10  }
0x38: {  	s10 =	sld [smem:$0x3FB7]  }
0x39: {  	_ = 	snop;
	(pc) =	sbr.ind lr, $3  }
0x3a: {  	_ = 	snop  }
0x3b: {  	_ = 	snop  }
0x3c: {  	p2 =	seq.s32 s10, $0x1;
	s10 =	sld [smem:$0x3FB6]  }
0x3d: {  	_ =	shalt  }
0x3e: {  	_ =	shalt  }
0x3f: {  	_ =	shalt  }
0x40: {  	_ =	shalt  }
0x41: {  	_ =	shalt  }
0x42: {  	_ =	shalt  }
0x43: {  	_ =	shalt  }
0x44: {  	_ =	shalt  }
0x45: {  	_ =	shalt  }
0x46: {  	_ =	shalt  }
0x47: {  	_ =	shalt  }
0x48: {  	_ =	shalt  }
0x49: {  	_ =	shalt  }
0x4a: {  	_ =	shalt  }
0x4b: {  	_ =	shalt  }
0x4c: {  	_ =	shalt  }
0x4d: {  	_ =	shalt  }
0x4e: {  	_ =	shalt  }
0x4f: {  	_ =	shalt  }
0x50: {  	_ =	shalt  }
0x51: {  	_ =	shalt  }
0x52: {  	_ =	shalt  }
0x53: {  	_ =	shalt  }
0x54: {  	_ =	shalt  }
0x55: {  	_ =	shalt  }
0x56: {  	_ =	shalt  }
0x57: {  	_ =	shalt  }
0x58: {  	_ =	shalt  }
0x59: {  	_ =	shalt  }
0x5a: {  	_ =	shalt  }
0x5b: {  	_ =	shalt  }
0x5c: {  	_ =	shalt  }
0x5d: {  	_ =	shalt  }
0x5e: {  	_ =	shalt  }
0x5f: {  	_ =	shalt  }
0x60: {  	_ =	shalt  }
0x61: {  	_ =	shalt  }
0x62: {  	_ =	shalt  }
0x63: {  	_ =	shalt  }
0x64: {  	_ =	shalt  }
0x65: {  	_ =	shalt  }
0x66: {  	_ =	shalt  }
0x67: {  	_ =	shalt  }
0x68: {  	_ =	shalt  }
0x69: {  	_ =	shalt  }
0x6a: {  	_ =	shalt  }
0x6b: {  	_ =	shalt  }
0x6c: {  	_ =	shalt  }
0x6d: {  	_ =	shalt  }
0x6e: {  	_ =	shalt  }
0x6f: {  	_ =	shalt  }
0x70: {  	_ =	shalt  }
0x71: {  	_ =	shalt  }
0x72: {  	_ =	shalt  }
0x73: {  	_ =	shalt  }
0x74: {  	_ =	shalt  }
0x75: {  	_ =	shalt  }
0x76: {  	_ =	shalt  }
0x77: {  	_ =	shalt  }
0x78: {  	_ =	shalt  }
0x79: {  	_ =	shalt  }
0x7a: {  	_ =	shalt  }
0x7b: {  	_ =	shalt  }
0x7c: {  	_ =	shalt  }
0x7d: {  	_ =	shalt  }
0x7e: {  	_ =	shalt  }
0x7f: {  	_ =	shalt  }
0x80: {  	_ =	shalt  }
0x81: {  	_ =	shalt  }
0x82: {  	_ =	shalt  }
0x83: {  	_ =	shalt  }
0x84: {  	_ =	shalt  }
0x85: {  	_ =	shalt  }
0x86: {  	_ =	shalt  }
0x87: {  	_ =	shalt  }
.Lfunc_end0:
.L_simem_size_0:
called_computation_lowered:
.L_overlay_start_0:
0x88: {  	s2 =	sld [smem:$0x3FD9]  }
0x89: {  	s3 =	sld [smem:$0x3FFE];
	_ =	sdelay $0x1  }
0x8a: {  	s1 =	srdreg.scid  }
0x8b: {  	s0 =	sand.u32 $0x1, s1  }
0x8c: {  	s17 =	sshll.u32 s0, $0xA;
	s2 =	sadd.s32 s3, s2  }
0x8d: {  	s2 =	sadd.s32 s2, s17  }
0x8e: {  	[smem:$0x3FC2] =	sst s2  }
0x8f: {  	_ = 	snop  }
0x90: {  	s2 =	sld [smem:$0x3FC9]  }
0x91: {  	s18 =	sld [smem:$0x3FC8]  }
0x92: {  	s4 =	sld [smem:$0x3FC7]  }
0x93: {  	s5 =	sld [smem:$0x3FD0];
	(tm) =	ssettm $0x1  }
0x94: {  	s6 =	sld [smem:$0x3FFB];
	_ =	sdelay $0x3  }
0x95: {  	_ =	strace s6  }
0x96: {  	s6 =	sld [smem:$0x3FFC];
	_ =	sdelay $0x3  }
0x97: {  	_ =	strace s6  }
0x98: {  	s6 =	sld [smem:$0x3FFD];
	_ =	sdelay $0x3  }
0x99: {  	_ =	strace s6  }
0x9a: {  	_ =	strace $0x8FFFFFFF  }
0x9b: {  	s19 =	sld [smem:$0x3FDB];
	_ =	sdelay $0x1  }
0x9c: {  	s7 =	simm.s32 $_scs_section_size  }
0x9d: {  	s8 =	simm.s32 $_size__tile_overlayer_lowered;
	s9 =	simm.s32 $_tile_overlayer_lowered  }
0x9e: {  	s22 =	simm.s32 $0x1BFF;
	s21 =	sshll.u32 s9, $0x1;
	s6 =	sadd.s32 s7, s19  }
0x9f: {  	s10 =	simm.s32 $0x0;
	s20 =	sshll.u32 s8, $0x1;
	s8 =	sadd.s32 s21, s6  }
0xa0: {  	[timem:s10], [sflag:s22] =	dma.local [hbm:s8], s20  }
0xa1: {  	_ =	swait.ge [sflag:s22], s20  }
0xa2: {  	s7 =	ssub.s32 $0x0, s20;
	[sflag:s22] =	ssyncset.done $0x0  }
0xa3: {  	[sflag:s22] =	ssyncadd.s32 s7;
	_ =	sdelay $0x1  }
0xa4: {  	s23 =	simm.s32 $0x1B8B  }
0xa5: {  	_ =	swait.ge [sflag:s23], $0x1  }
0xa6: {  	[sflag:s23] =	ssyncset.done $0x0  }
0xa7: {  	s25 =	simm.s32 $0x1B8E;
	s24 =	sld [smem:$0x3FFE];
	[sflag:s23] =	ssyncadd.s32 $0xFFFFFFFF  }
0xa8: {  	s26 =	simm.s32 $execute0_lowered;
	[smem:$0x3FD2] =	sst s25  }
0xa9: {  	s8 =	sshll.u32 s26, $0x1;
	_ =	strace $0x80000046;
	[dreg:$0x1] =	wrdreg $0xFFFFFFFF  }
0xaa: {  	s28 =	simm.s32 $_size_execute0_lowered;
	s6 =	sadd.s32 s6, s8;
	[dreg:$0x0] =	wrdreg $0x0  }
0xab: {  	s8 =	sshll.u32 s28, $0x1;
	[dreg:$0x2] =	wrdreg s6  }
0xac: {  	[dreg:$0x3] =	wrdreg s8  }
0xad: {  	[dreg:$0x4] =	wrdreg $0xC0  }
0xae: {  	_ =	task [dreg:s10], $0x5FFFF  }
0xaf: {  	[dreg:$0x1] =	wrdreg $0xFFFFFFFF  }
0xb0: {  	[dreg:$0x0] =	wrdreg $0x60  }
0xb1: {  	[dreg:$0x2] =	wrdreg s2  }
0xb2: {  	[dreg:$0x3] =	wrdreg s18  }
0xb3: {  	[dreg:$0x4] =	wrdreg s4  }
0xb4: {  	[dreg:$0x5] =	wrdreg s5  }
0xb5: {  	[dreg:$0x6] =	wrdreg s24  }
0xb6: {  	[dreg:$0x7] =	wrdreg $0x9  }
0xb7: {  	_ =	task.clear_ibuf [dreg:s10], $0x8FFFF;
	_ =	strace $0x90000046  }
0xb8: {  	s29 =	simm.s32 $0x9;
	_ =	strace $0x80000048  }
0xb9: {  	_ =	swait.ge [sflag:s29], $0x1  }
0xba: {  	[sflag:s29] =	ssyncadd.s32 $0xFFFFFFFF  }
0xbb: {  	_ =	strace $0x90000048  }
0xbc: {  	_ =	sfence  }
0xbd: {  	s30 =	sld [smem:$0x0];
	_ =	sdelay $0x2  }
0xbe: {  	s31 =	sshll.u32 s1, $0xD;
	s1 =	sshrl.u32 s1, $0x2  }
0xbf: {  	s3 =	sand.u32 $0x4000, s31;
	s1 =	sadd.s32 s1, s30  }
0xc0: {  	s0 =	sor.u32 s3, s0;
	s1 =	sshll.u32 s1, $0x11  }
0xc1: {  	s0 =	sor.u32 s1, s0  }
0xc2: {  	s0 =	sadd.s32 $0x8F2B, s0  }
0xc3: {  	[sflag:s0] =	ssyncadd.remote.s32 $0x1  }
0xc4: {  	_ =	sfence.sel $0xFFFF  }
0xc5: {  	[dreg:$0x0] =	wrdreg $0xFFFFFFFF;
	(pc) =	sbr.abs _section_cstart, $3  }
0xc6: {  	[dreg:$0x1] =	wrdreg $0xFFFFFFFF  }
0xc7: {  	_ =	task.clear_ibuf [dreg:s10], $0x2FFFF;
	_ =	strace $0x9FFFFFFF  }
0xc8: {  	(tm) =	ssettm $0x7FFFFFFF  }
0xc9: {  	_ =	shalt  }
tec
execute0_lowered:
.L_overlay_start_1:
0x0: {  	(tag) =	ssettag $0x1  }
0x1: {  	s5 =	rddreg [dreg:$0x0]  }
0x2: {  	s1 =	rddreg [dreg:$0x1]  }
0x3: {  	s2 =	rddreg [dreg:$0x2]  }
0x4: {  	s6 =	rddreg [dreg:$0x3]  }
0x5: {  	s7 =	rddreg [dreg:$0x4];
	s4 =	srdreg.scid  }
0x6: {  	s0 =	rddreg [dreg:$0x5];
	s3 =	stileid.u32;
	s12 =	simm.s32 $0x1  }
0x7: {  	s13 =	simm.s32 $0x2;
	s8 =	sand.u32 $0x1, s4;
	s4 =	simm.s32 $0x0  }
0x8: {  	s9 =	sshll.u32 s3, $0x6;
	s10 =	sshll.u32 s8, $0x5;
	s8 =	ssub.s32 $0x2, s8  }
0x9: {  	[smem:$0x7FF] =	sst s4;
	s9 =	sor.u32 s10, s9;
	s11 =	sshrl.u32 s8, $0x1  }
0xa: {  	_ =	strace $0x80000047;
	s10 =	sshll.u32 s9, $0x8;
	s8 =	ssub.s32 s8, s11  }
0xb: {  	s9 =	sshrl.u32 s9, $0x3;
	s11 =	simm.s32 $0x8080;
	s7 =	sadd.s32 s10, s7  }
0xc: {  	s5 =	sadd.s32 s5, s9;
	s6 =	sadd.s32 s6, s10;
	s8 =	smax.u32 s8, $0x1  }
0xd: {  	v0 =	vlaneseq.u32;
	vm0 =	vmmov $0xffff;
	s9 =	simm.s32 $0x3;
	s10 =	simm.s32 $0x80;
	s7 =	sadd.s32 $0x1200, s7  }
.LBB2_1:
0xe: {  	[tilespmem:s4], [sflag:$0x3] =	stream.linear.gather [hbm4b:s5+s4], $0x20, $0x38;
	[tilespmem:$0x10080] =	vst v63  }
0xf: {  	_ =	swait.ge [sflag:s9], $0x20  }
0x10: {  	[sflag:s9] =	ssyncset.done $0x0  }
0x11: {  	[sflag:s9] =	ssyncadd.s32 $0xFFFFFFE0  }
0x12: {  	v1 =	vld [tilespmem:$0x0];
	_ =	sdelay $0x4  }
0x13: {  	v1 =	vshll.u32 v1, $0xB  }
0x14: {  	v1 =	vperm.xlane v1, v0;
	_ =	sdelay $0x5  }
0x15: {  	[tilespmem:s10], [sflag:$0x1] =	stream.indirect_vreg.gather [hbm4b:s1+s4], $0x800, v1, vm0, $0x38;
	[tilespmem:$0x10080] =	vst v63  }
0x16: {  	v1 =	vld [tilespmem:$0x10];
	_ =	sdelay $0x4  }
0x17: {  	v1 =	vshll.u32 v1, $0xB  }
0x18: {  	v1 =	vperm.xlane v1, v0;
	_ =	sdelay $0x5  }
0x19: {  	[tilespmem:s11], [sflag:$0x1] =	stream.indirect_vreg.gather [hbm4b:s1+s4], $0x800, v1, vm0, $0x38;
	[tilespmem:$0x10080] =	vst v63  }
0x1a: {  	_ =	swait.ge [sflag:s12], $0x10000  }
0x1b: {  	[sflag:s12] =	ssyncset.done $0x0  }
0x1c: {  	[sflag:s12] =	ssyncadd.s32 $0xFFFF0000  }
0x1d: {  	[hbm4b:s6+s4] =	stream.linear.scatter [tilespmem:s10], [sflag:$0x2], $0x10000, $0x38;
	[tilespmem:$0x10080] =	vst v63  }
0x1e: {  	_ =	swait.ge [sflag:s13], $0x10000  }
0x1f: {  	[sflag:s13] =	ssyncset.done $0x0  }
0x20: {  	[sflag:s13] =	ssyncadd.s32 $0xFFFF0000  }
0x21: {  	v1 =	vld [tilespmem:$0x0];
	_ =	sdelay $0x4  }
0x22: {  	v1 =	vshll.u32 v1, $0xB  }
0x23: {  	v1 =	vperm.xlane v1, v0;
	_ =	sdelay $0x5  }
0x24: {  	[tilespmem:s10], [sflag:$0x1] =	stream.indirect_vreg.gather [hbm4b:s2+s4], $0x800, v1, vm0, $0x38;
	[tilespmem:$0x10080] =	vst v63  }
0x25: {  	v1 =	vld [tilespmem:$0x10];
	_ =	sdelay $0x4  }
0x26: {  	v1 =	vshll.u32 v1, $0xB  }
0x27: {  	v1 =	vperm.xlane v1, v0;
	_ =	sdelay $0x5  }
0x28: {  	[tilespmem:s11], [sflag:$0x1] =	stream.indirect_vreg.gather [hbm4b:s2+s4], $0x800, v1, vm0, $0x38;
	[tilespmem:$0x10080] =	vst v63  }
0x29: {  	_ =	swait.ge [sflag:s12], $0x10000  }
0x2a: {  	p0 =	sne.s32 s8, $0x1;
	[sflag:s12] =	ssyncset.done $0x0  }
.Ltmp0:
0x2b: {  	[sflag:s12] =	ssyncadd.s32 $0xFFFF0000;
	(pc) =	sbr.rel @p0 .LBB2_1-.Ltmp0, $4  }
0x2c: {  	[hbm4b:s7+s4] =	stream.linear.scatter [tilespmem:s10], [sflag:$0x2], $0x10000, $0x38;
	[tilespmem:$0x10080] =	vst v63  }
0x2d: {  	_ =	swait.ge [sflag:s13], $0x10000  }
0x2e: {  	[sflag:s13] =	ssyncset.done $0x0  }
0x2f: {  	s8 =	sadd.s32 $0xFFFFFFFF, s8;
	[sflag:s13] =	ssyncadd.s32 $0xFFFF0000  }
0x30: {  	_ =	sfence.sel $0x180000  }
0x31: {  	[bflag:$0x0] =	sbarrier.arrive $0xFFFF  }
0x32: {  	p0 =	sne.s32 s3, $0x0;
	_ =	strace $0x90000047  }
0x33: {  	s0 =	sadd.s32 @!p0 $0x100000, s0;
	[bflag:$0x2] =	sbarrier.arrive $0xFFFF  }
0x34: {  	[sflag:s0] =	ssyncadd.tile.s32 @!p0 $0x1;
	_ =	shalt  }
.Lfunc_end2:
_tile_overlayer_lowered:
.L_overlay_start_2:
0x35: {  	(tag) =	ssettag $0x2  }
0x36: {  	s0 =	rddreg [dreg:$0x0];
	s2 =	stileid.u32  }
0x37: {  	s1 =	rddreg [dreg:$0x1];
	p0 =	sne.s32 s2, $0x0  }
0x38: {  	s3 =	rddreg [dreg:$0x2];
	[bflag:$0x3] =	sbarrier.arrive $0xFFFF;
	s2 =	simm.s32 @!p0 $0x1C03  }
0x39: {  	[timem:s3], [sflag:s2] =	dma.local @!p0 [hbm:s0], s1  }
0x3a: {  	s0 =	simm.s32 @!p0 $0x3  }
0x3b: {  	_ =	swait.ge @!p0 [sflag:s0], s1  }
0x3c: {  	s1 =	ssub.s32 @!p0 $0x0, s1;
	[sflag:s0] =	ssyncset.done @!p0 $0x0  }
0x3d: {  	[sflag:s0] =	ssyncadd.s32 @!p0 s1  }
0x3e: {  	[bflag:$0x3] =	sbarrier.arrive $0xFFFF  }
0x3f: {  	_ =	shalt  }

</sc_bundles>
